<compile_context>
chip_gen: v7x
topology: tpu7x:2x2x1
jax: 0.10.2.dev20260603
libtpu: 0.0.44.dev20260713+nightly
codegen_flags: <defaults>
</compile_context>

<pallas_src>
import functools

import jax
import jax.numpy as jnp
from jax import lax
from jax.experimental import pallas as pl
from jax.experimental.pallas import tpu as pltpu
from jax.experimental.pallas import tpu_sc as plsc

_D = 128
_MAX_ID = 1025
_ROWS_PAD = 1032
_NC, _NS, _LANES = 2, 16, 16
_NW = _NC * _NS
_B, _L = 4096, 200
_TOT = _B * _L
_CHUNK = 128
_PER_W = _TOT // _NW
_NCH = _PER_W // _CHUNK


def _project_body(t_ref, w_ref, b_ref, m_ref, o_ref):
    prod = lax.dot_general(
        t_ref[...], w_ref[...], (((1,), (1,)), ((), ())),
        preferred_element_type=jnp.float32)
    o_ref[...] = m_ref[...] * (prod + b_ref[...])


def _project_table(table_padded, w, b, mix):
    return pl.pallas_call(
        _project_body,
        out_shape=jax.ShapeDtypeStruct((_ROWS_PAD, _D), jnp.float32),
    )(table_padded, w, b.reshape(1, _D), mix.reshape(1, 1))


_MESH = plsc.VectorSubcoreMesh(
    core_axis_name="c", subcore_axis_name="s",
    num_cores=_NC, num_subcores=_NS)


@functools.partial(
    pl.kernel,
    out_type=jax.ShapeDtypeStruct((_NW, _NCH, _CHUNK, _D), jnp.float32),
    mesh=_MESH,
    scratch_types=[
        pltpu.VMEM((_NCH, _CHUNK), jnp.int32),
        pltpu.VMEM((4, _CHUNK, _D), jnp.float32),
        pltpu.VMEM_SHARED((_ROWS_PAD, _D), jnp.float32),
        pltpu.SemaphoreType.DMA,
        pltpu.SemaphoreType.DMA,
        pltpu.SemaphoreType.DMA,
        pltpu.SemaphoreType.DMA,
        pltpu.SemaphoreType.DMA,
        pltpu.SemaphoreType.DMA,
        pltpu.SemaphoreType.DMA,
        pltpu.SemaphoreType.DMA,
    ],
)
def _gather_rows(table_hbm, idx_hbm, out_hbm, idx_v, rows_v, tsh,
                 g0, g1, g2, g3, o0, o1, o2, o3):
    sid = lax.axis_index("s")
    wid = sid * _NC + lax.axis_index("c")

    @pl.when(sid == 0)
    def _stage():
        pltpu.sync_copy(table_hbm, tsh)

    pltpu.sync_copy(idx_hbm.at[wid], idx_v)

    _VPC = _CHUNK // _LANES

    def _clamp(i, carry):
        c = i // _VPC
        j = (i % _VPC) * _LANES
        v = idx_v[c, pl.ds(j, _LANES)]
        idx_v[c, pl.ds(j, _LANES)] = jnp.minimum(
            jnp.maximum(v, 0), _MAX_ID)
        return carry

    lax.fori_loop(0, 6 * _VPC, _clamp, 0)

    def _clamp_chunk(t):
        @pl.when(t < _NCH)
        def _():
            def _cl(j, carry):
                v = idx_v[t, pl.ds(j * _LANES, _LANES)]
                idx_v[t, pl.ds(j * _LANES, _LANES)] = jnp.minimum(
                    jnp.maximum(v, 0), _MAX_ID)
                return carry

            lax.fori_loop(0, _VPC, _cl, 0)

    plsc.subcore_barrier()

    def _g_start(c, buf, sem):
        @pl.when(c % 16 == 15)
        def _():
            pltpu.make_async_copy(
                table_hbm.at[idx_v.at[c]], rows_v.at[buf], sem).start()

        @pl.when(c % 16 != 15)
        def _():
            pltpu.make_async_copy(
                tsh.at[idx_v.at[c]], rows_v.at[buf], sem).start()

    def _g(c, buf, sem):
        return pltpu.make_async_copy(tsh.at[idx_v.at[c]], rows_v.at[buf], sem)

    def _w(c, buf, sem):
        return pltpu.make_async_copy(rows_v.at[buf], out_hbm.at[wid, c], sem)

    _g_start(0, 0, g0)
    _g_start(1, 1, g1)

    _NQ = _NCH // 4

    def _quad(q, carry):
        c = 4 * q

        _clamp_chunk(c + 6)
        _clamp_chunk(c + 7)
        _clamp_chunk(c + 8)
        _clamp_chunk(c + 9)

        _g(c, 0, g0).wait()
        _w(c, 0, o0).start()

        @pl.when(q > 0)
        def _():
            _w(c - 2, 2, o2).wait()
        _g_start(c + 2, 2, g2)

        _g(c + 1, 1, g1).wait()
        _w(c + 1, 1, o1).start()

        @pl.when(q > 0)
        def _():
            _w(c - 1, 3, o3).wait()
        _g_start(c + 3, 3, g3)

        _g(c + 2, 2, g2).wait()
        _w(c + 2, 2, o2).start()

        @pl.when(q < _NQ - 1)
        def _():
            _w(c, 0, o0).wait()
            _g_start(c + 4, 0, g0)

        _g(c + 3, 3, g3).wait()
        _w(c + 3, 3, o3).start()

        @pl.when(q < _NQ - 1)
        def _():
            _w(c + 1, 1, o1).wait()
            _g_start(c + 5, 1, g1)

        return carry

    lax.fori_loop(0, _NQ, _quad, 0)
    _w(_NCH - 4, 0, o0).wait()
    _w(_NCH - 3, 1, o1).wait()
    _w(_NCH - 2, 2, o2).wait()
    _w(_NCH - 1, 3, o3).wait()


def kernel(counter_values, c_emb_weight, read_proj_w, read_proj_b, mix):
    table_padded = jnp.pad(
        c_emb_weight, ((0, _ROWS_PAD - c_emb_weight.shape[0]), (0, 0)))
    ptab = _project_table(table_padded, read_proj_w, read_proj_b,
                          jnp.asarray(mix, jnp.float32))
    idx = counter_values.reshape(_NW, _NCH, _CHUNK)
    out = _gather_rows(ptab, idx)
    return out.reshape(_B, _L, _D)

# --- scband reference (transcript-rebuilt; emitter-appended) ---
"""Pipeline reference for scband-loop-counter-70231305224217 (READ-ONLY COPY).

The authoritative reference and input builder live on the scoring server;
editing this copy changes nothing except your own understanding.
"""

import jax, jax.numpy as jnp
import numpy as np

D_MODEL = 128
MAX_COUNT = 1024
NUM_ROWS = MAX_COUNT + 2  # 1026
B, L = 4096, 200


def setup_inputs(seed: int = 0) -> dict:
    key = jax.random.key(seed)
    k1, k2, k3 = jax.random.split(key, 3)
    counter_values = jax.random.randint(k1, (B, L), 0, NUM_ROWS, dtype=jnp.int32)
    c_emb_weight = 0.02 * jax.random.normal(k2, (NUM_ROWS, D_MODEL), dtype=jnp.float32)
    c_emb_weight = c_emb_weight.at[MAX_COUNT + 1].set(0.0)  # sentinel row zeroed
    read_proj_w = 0.01 * jax.random.normal(k3, (D_MODEL, D_MODEL), dtype=jnp.float32)
    read_proj_b = jnp.zeros((D_MODEL,), dtype=jnp.float32)
    mix = jnp.asarray(1.0, dtype=jnp.float32)
    return {
        "counter_values": counter_values,
        "c_emb_weight": c_emb_weight,
        "read_proj_w": read_proj_w,
        "read_proj_b": read_proj_b,
        "mix": mix,
    }


def reference(counter_values, c_emb_weight, read_proj_w, read_proj_b, mix):
    # cv = counter_values.clamp(0, max_count + 1)
    cv = jnp.clip(counter_values, 0, MAX_COUNT + 1)
    # emb = self.c_emb(cv)
    emb = jnp.take(c_emb_weight, cv, axis=0)  # (B, L, d_model)
    # out = self.mix * self.read_proj(emb)  (torch Linear: x @ W.T + b)
    out = mix * (jnp.einsum('bld,ed->ble', emb, read_proj_w) + read_proj_b)
    return out

if __name__ == "__main__":
    import jax
    _d = setup_inputs()
    print(jax.jit(kernel)(*tuple(_d.values())))

</pallas_src>

<mosaic_0001>
#map = affine_map<(d0, d1) -> (0, 0)>
#map1 = affine_map<(d0, d1) -> (0, 0, 0)>
#map2 = affine_map<(d0, d1) -> (0, 0, 0, 0)>
module attributes {stable_mosaic.version = 14 : i64} {
  func.func @_gather_rows(%arg0: i32, %arg1: i32, %arg2: memref<1032x128xf32, #tpu.memory_space<hbm>>, %arg3: memref<32x200x128xi32, #tpu.memory_space<hbm>>, %arg4: memref<32x200x128x128xf32, #tpu.memory_space<hbm>>, %arg5: memref<200x128xi32, #tpu.memory_space<vmem>>, %arg6: memref<4x128x128xf32, #tpu.memory_space<vmem>>, %arg7: memref<1032x128xf32, #tpu.memory_space<vmem_shared>>, %arg8: memref<!tpu.dma_semaphore, #tpu.memory_space<semaphore_mem>>, %arg9: memref<!tpu.dma_semaphore, #tpu.memory_space<semaphore_mem>>, %arg10: memref<!tpu.dma_semaphore, #tpu.memory_space<semaphore_mem>>, %arg11: memref<!tpu.dma_semaphore, #tpu.memory_space<semaphore_mem>>, %arg12: memref<!tpu.dma_semaphore, #tpu.memory_space<semaphore_mem>>, %arg13: memref<!tpu.dma_semaphore, #tpu.memory_space<semaphore_mem>>, %arg14: memref<!tpu.dma_semaphore, #tpu.memory_space<semaphore_mem>>, %arg15: memref<!tpu.dma_semaphore, #tpu.memory_space<semaphore_mem>>) attributes {dimension_semantics = [#tpu.dimension_semantics<core_parallel>, #tpu.dimension_semantics<subcore_parallel>], iteration_bounds = array<i64: 2, 16>, scalar_prefetch = 0 : i64, scratch_operands = 11 : i64, tpu.core_type = #tpu.core_type<sc_vector_subcore>, window_params = [{transform_indices = #map}, {transform_indices = #map1}, {transform_indices = #map2}]} {
    %mul3A = arith.constant 2 : i32
    %mul3A_0 = arith.muli %arg1, %mul3A : i32
    %add3A = arith.addi %mul3A_0, %arg0 : i32
    %eq3A = arith.constant 0 : i32
    %eq3A_1 = arith.cmpi eq, %arg1, %eq3A : i32
    %convert_element_type3A = arith.extui %eq3A_1 : i1 to i32
    %cond3A = arith.constant 0 : i32
    %cond3A_2 = arith.cmpi ne, %convert_element_type3A, %cond3A : i32
    scf.if %cond3A_2 {
      "tpu.region"() ({
        %run_scoped3A = tpu.sem_alloc : memref<!tpu.dma_semaphore, #tpu.memory_space<semaphore_mem>>
        tpu.enqueue_dma source(%arg2 : memref<1032x128xf32, #tpu.memory_space<hbm>>) target(%arg7 : memref<1032x128xf32, #tpu.memory_space<vmem_shared>>) target_semaphore(%run_scoped3A : memref<!tpu.dma_semaphore, #tpu.memory_space<semaphore_mem>>)
        tpu.wait_dma2 semaphore(%run_scoped3A : memref<!tpu.dma_semaphore, #tpu.memory_space<semaphore_mem>>) src(%arg2 : memref<1032x128xf32, #tpu.memory_space<hbm>>) dst(%arg7 : memref<1032x128xf32, #tpu.memory_space<vmem_shared>>)
        tpu.yield
      }) : () -> ()
    } else {
    }
    "tpu.region"() ({
      %run_scoped3A = tpu.sem_alloc : memref<!tpu.dma_semaphore, #tpu.memory_space<semaphore_mem>>
      %dma_start3A_108 = arith.constant 0 : i32
      %dma_start3A_109 = arith.constant 0 : i32
      %dma_start3A_110 = tpu.memref_slice %arg3[%add3A, %dma_start3A_108, %dma_start3A_109] : memref<32x200x128xi32, #tpu.memory_space<hbm>> -> memref<1x200x128xi32, #tpu.memory_space<hbm>>
      %dma_start3A_111 = tpu.memref_squeeze %dma_start3A_110 : memref<1x200x128xi32, #tpu.memory_space<hbm>> -> memref<200x128xi32, #tpu.memory_space<hbm>>
      %dma_start3A_112 = arith.constant 0 : i32
      %dma_start3A_113 = arith.constant 0 : i32
      %dma_start3A_114 = tpu.memref_slice %arg3[%add3A, %dma_start3A_112, %dma_start3A_113] : memref<32x200x128xi32, #tpu.memory_space<hbm>> -> memref<1x200x128xi32, #tpu.memory_space<hbm>>
      %dma_start3A_115 = tpu.memref_squeeze %dma_start3A_114 : memref<1x200x128xi32, #tpu.memory_space<hbm>> -> memref<200x128xi32, #tpu.memory_space<hbm>>
      tpu.enqueue_dma source(%dma_start3A_115 : memref<200x128xi32, #tpu.memory_space<hbm>>) target(%arg5 : memref<200x128xi32, #tpu.memory_space<vmem>>) target_semaphore(%run_scoped3A : memref<!tpu.dma_semaphore, #tpu.memory_space<semaphore_mem>>)
      %dma_wait3A_116 = arith.constant 0 : i32
      %dma_wait3A_117 = arith.constant 0 : i32
      %dma_wait3A_118 = tpu.memref_slice %arg3[%add3A, %dma_wait3A_116, %dma_wait3A_117] : memref<32x200x128xi32, #tpu.memory_space<hbm>> -> memref<1x200x128xi32, #tpu.memory_space<hbm>>
      %dma_wait3A_119 = tpu.memref_squeeze %dma_wait3A_118 : memref<1x200x128xi32, #tpu.memory_space<hbm>> -> memref<200x128xi32, #tpu.memory_space<hbm>>
      %dma_wait3A_120 = arith.constant 0 : i32
      %dma_wait3A_121 = arith.constant 0 : i32
      %dma_wait3A_122 = tpu.memref_slice %arg3[%add3A, %dma_wait3A_120, %dma_wait3A_121] : memref<32x200x128xi32, #tpu.memory_space<hbm>> -> memref<1x200x128xi32, #tpu.memory_space<hbm>>
      %dma_wait3A_123 = tpu.memref_squeeze %dma_wait3A_122 : memref<1x200x128xi32, #tpu.memory_space<hbm>> -> memref<200x128xi32, #tpu.memory_space<hbm>>
      tpu.wait_dma2 semaphore(%run_scoped3A : memref<!tpu.dma_semaphore, #tpu.memory_space<semaphore_mem>>) src(%dma_wait3A_123 : memref<200x128xi32, #tpu.memory_space<hbm>>) dst(%arg5 : memref<200x128xi32, #tpu.memory_space<vmem>>)
      tpu.yield
    }) : () -> ()
    %scan3A = arith.constant 0 : i32
    %scan3A_3 = arith.constant 0 : i32
    %scan3A_4 = arith.constant 48 : i32
    %scan3A_5 = arith.addi %scan3A_3, %scan3A_4 : i32
    %scan3A_6 = arith.constant 1 : i32
    scf.for %scan3A_108 = %scan3A_3 to %scan3A_5 step %scan3A_6  : i32 {
      %jit3A = arith.constant 8 : i32
      %div3A = arith.divsi %scan3A_108, %jit3A : i32
      %sign3A = arith.constant 0 : i32
      %sign3A_109 = arith.cmpi sgt, %scan3A_108, %sign3A : i32
      %sign3A_110 = arith.extui %sign3A_109 : i1 to i32
      %sign3A_111 = arith.constant 0 : i32
      %sign3A_112 = arith.cmpi slt, %scan3A_108, %sign3A_111 : i32
      %sign3A_113 = arith.extui %sign3A_112 : i1 to i32
      %sign3A_114 = arith.subi %sign3A_110, %sign3A_113 : i32
      %sign3A_115 = arith.constant 0 : i32
      %sign3A_116 = arith.cmpi sgt, %jit3A, %sign3A_115 : i32
      %sign3A_117 = arith.extui %sign3A_116 : i1 to i32
      %sign3A_118 = arith.constant 0 : i32
      %sign3A_119 = arith.cmpi slt, %jit3A, %sign3A_118 : i32
      %sign3A_120 = arith.extui %sign3A_119 : i1 to i32
      %sign3A_121 = arith.subi %sign3A_117, %sign3A_120 : i32
      %ne3A = arith.cmpi ne, %sign3A_114, %sign3A_121 : i32
      %rem3A = arith.remsi %scan3A_108, %jit3A : i32
      %ne3A_122 = arith.constant 0 : i32
      %ne3A_123 = arith.cmpi ne, %rem3A, %ne3A_122 : i32
      %and3A = arith.andi %ne3A, %ne3A_123 : i1
      %sub3A = arith.constant 1 : i32
      %sub3A_124 = arith.subi %div3A, %sub3A : i32
      %select_n3A = arith.select %and3A, %sub3A_124, %div3A : i32
      %jit3A_125 = arith.constant 8 : i32
      %eq3A_126 = arith.constant 0 : i32
      %eq3A_127 = arith.cmpi eq, %jit3A_125, %eq3A_126 : i32
      %jit3A_128 = arith.constant 1 : i32
      %select_n3A_129 = arith.select %eq3A_127, %jit3A_128, %jit3A_125 : i32
      %rem3A_130 = arith.remsi %scan3A_108, %select_n3A_129 : i32
      %ne3A_131 = arith.constant 0 : i32
      %ne3A_132 = arith.cmpi ne, %rem3A_130, %ne3A_131 : i32
      %lt3A = arith.constant 0 : i32
      %lt3A_133 = arith.cmpi slt, %rem3A_130, %lt3A : i32
      %lt3A_134 = arith.constant 0 : i32
      %lt3A_135 = arith.cmpi slt, %select_n3A_129, %lt3A_134 : i32
      %ne3A_136 = arith.xori %lt3A_133, %lt3A_135 : i1
      %and3A_137 = arith.andi %ne3A_136, %ne3A_132 : i1
      %add3A_138 = arith.addi %rem3A_130, %select_n3A_129 : i32
      %select_n3A_139 = arith.select %and3A_137, %add3A_138, %rem3A_130 : i32
      %mul3A_140 = arith.constant 16 : i32
      %mul3A_141 = arith.muli %select_n3A_139, %mul3A_140 : i32
      %get3A = arith.index_cast %select_n3A : i32 to index
      %get3A_142 = arith.index_cast %mul3A_141 : i32 to index
      %get3A_143 = tpu.vector_load %arg5[%get3A, %get3A_142] {strides = array<i32>} : memref<200x128xi32, #tpu.memory_space<vmem>>, vector<1x16xi32>,
      %get3A_144 = vector.shape_cast %get3A_143 : vector<1x16xi32> to vector<16xi32>
      %max3A = arith.constant 0 : i32
      %max3A_145 = vector.broadcast %max3A : i32 to vector<16xi32>
      %max3A_146 = arith.maxsi %get3A_144, %max3A_145 : vector<16xi32>
      %min3A = arith.constant 1025 : i32
      %min3A_147 = vector.broadcast %min3A : i32 to vector<16xi32>
      %min3A_148 = arith.minsi %max3A_146, %min3A_147 : vector<16xi32>
      %swap3A = arith.index_cast %select_n3A : i32 to index
      %swap3A_149 = arith.index_cast %mul3A_141 : i32 to index
      %swap3A_150 = tpu.vector_load %arg5[%swap3A, %swap3A_149] {strides = array<i32>} : memref<200x128xi32, #tpu.memory_space<vmem>>, vector<1x16xi32>,
      %swap3A_151 = vector.shape_cast %swap3A_150 : vector<1x16xi32> to vector<16xi32>
      %swap3A_152 = vector.shape_cast %min3A_148 : vector<16xi32> to vector<1x16xi32>
      tpu.vector_store %arg5[%swap3A, %swap3A_149], %swap3A_152 {strides = array<i32>} : memref<200x128xi32, #tpu.memory_space<vmem>>, vector<1x16xi32>,
    }
    %scan3A_7 = arith.constant 48 : i32
    %barrier3A = arith.constant 0 : index
    tpu.barrier barrier_id(%barrier3A)
    %dma_start3A = arith.constant 0 : i32
    %dma_start3A_8 = arith.constant 0 : i32
    %dma_start3A_9 = arith.constant 0 : i32
    %dma_start3A_10 = arith.constant 0 : i32
    %dma_start3A_11 = tpu.memref_slice %arg6[%dma_start3A_8, %dma_start3A_9, %dma_start3A_10] : memref<4x128x128xf32, #tpu.memory_space<vmem>> -> memref<1x128x128xf32, #tpu.memory_space<vmem>>
    %dma_start3A_12 = tpu.memref_squeeze %dma_start3A_11 : memref<1x128x128xf32, #tpu.memory_space<vmem>> -> memref<128x128xf32, #tpu.memory_space<vmem>>
    %dma_start3A_13 = arith.constant 0 : i32
    %dma_start3A_14 = tpu.memref_slice %arg5[%dma_start3A, %dma_start3A_13] : memref<200x128xi32, #tpu.memory_space<vmem>> -> memref<1x128xi32, #tpu.memory_space<vmem>>
    %dma_start3A_15 = tpu.memref_squeeze %dma_start3A_14 : memref<1x128xi32, #tpu.memory_space<vmem>> -> memref<128xi32, #tpu.memory_space<vmem>>
    %dma_start3A_16 = arith.constant 0 : i32
    %dma_start3A_17 = arith.constant 0 : i32
    %dma_start3A_18 = tpu.memref_slice %arg7[%dma_start3A_16, %dma_start3A_17] : memref<1032x128xf32, #tpu.memory_space<vmem_shared>> -> memref<1032x128xf32, #tpu.memory_space<vmem_shared>>
    tpu.enqueue_indirect_dma source(%dma_start3A_18 : memref<1032x128xf32, #tpu.memory_space<vmem_shared>>) target(%dma_start3A_12 : memref<128x128xf32, #tpu.memory_space<vmem>>) offsets(%dma_start3A_15 : memref<128xi32, #tpu.memory_space<vmem>>) semaphore(%arg8 : memref<!tpu.dma_semaphore, #tpu.memory_space<semaphore_mem>>)
    %dma_start3A_19 = arith.constant 1 : i32
    %dma_start3A_20 = arith.constant 1 : i32
    %dma_start3A_21 = arith.constant 0 : i32
    %dma_start3A_22 = arith.constant 0 : i32
    %dma_start3A_23 = tpu.memref_slice %arg6[%dma_start3A_20, %dma_start3A_21, %dma_start3A_22] : memref<4x128x128xf32, #tpu.memory_space<vmem>> -> memref<1x128x128xf32, #tpu.memory_space<vmem>>
    %dma_start3A_24 = tpu.memref_squeeze %dma_start3A_23 : memref<1x128x128xf32, #tpu.memory_space<vmem>> -> memref<128x128xf32, #tpu.memory_space<vmem>>
    %dma_start3A_25 = arith.constant 0 : i32
    %dma_start3A_26 = tpu.memref_slice %arg5[%dma_start3A_19, %dma_start3A_25] : memref<200x128xi32, #tpu.memory_space<vmem>> -> memref<1x128xi32, #tpu.memory_space<vmem>>
    %dma_start3A_27 = tpu.memref_squeeze %dma_start3A_26 : memref<1x128xi32, #tpu.memory_space<vmem>> -> memref<128xi32, #tpu.memory_space<vmem>>
    %dma_start3A_28 = arith.constant 0 : i32
    %dma_start3A_29 = arith.constant 0 : i32
    %dma_start3A_30 = tpu.memref_slice %arg7[%dma_start3A_28, %dma_start3A_29] : memref<1032x128xf32, #tpu.memory_space<vmem_shared>> -> memref<1032x128xf32, #tpu.memory_space<vmem_shared>>
    tpu.enqueue_indirect_dma source(%dma_start3A_30 : memref<1032x128xf32, #tpu.memory_space<vmem_shared>>) target(%dma_start3A_24 : memref<128x128xf32, #tpu.memory_space<vmem>>) offsets(%dma_start3A_27 : memref<128xi32, #tpu.memory_space<vmem>>) semaphore(%arg9 : memref<!tpu.dma_semaphore, #tpu.memory_space<semaphore_mem>>)
    %scan3A_31 = arith.constant 0 : i32
    %scan3A_32 = arith.constant 0 : i32
    %scan3A_33 = arith.constant 50 : i32
    %scan3A_34 = arith.addi %scan3A_32, %scan3A_33 : i32
    %scan3A_35 = arith.constant 1 : i32
    scf.for %scan3A_108 = %scan3A_32 to %scan3A_34 step %scan3A_35  : i32 {
      %mul3A_109 = arith.constant 4 : i32
      %mul3A_110 = arith.muli %mul3A_109, %scan3A_108 : i32
      %add3A_111 = arith.constant 6 : i32
      %add3A_112 = arith.addi %mul3A_110, %add3A_111 : i32
      %lt3A = arith.constant 200 : i32
      %lt3A_113 = arith.cmpi slt, %add3A_112, %lt3A : i32
      %convert_element_type3A_114 = arith.extui %lt3A_113 : i1 to i32
      %cond3A_115 = arith.constant 0 : i32
      %cond3A_116 = arith.cmpi ne, %convert_element_type3A_114, %cond3A_115 : i32
      scf.if %cond3A_116 {
        %scan3A_364 = arith.constant 0 : i32
        %scan3A_365 = arith.constant 0 : i32
        %scan3A_366 = arith.constant 8 : i32
        %scan3A_367 = arith.addi %scan3A_365, %scan3A_366 : i32
        %scan3A_368 = arith.constant 1 : i32
        scf.for %scan3A_370 = %scan3A_365 to %scan3A_367 step %scan3A_368  : i32 {
          %mul3A_371 = arith.constant 16 : i32
          %mul3A_372 = arith.muli %scan3A_370, %mul3A_371 : i32
          %get3A = arith.index_cast %add3A_112 : i32 to index
          %get3A_373 = arith.index_cast %mul3A_372 : i32 to index
          %get3A_374 = tpu.vector_load %arg5[%get3A, %get3A_373] {strides = array<i32>} : memref<200x128xi32, #tpu.memory_space<vmem>>, vector<1x16xi32>,
          %get3A_375 = vector.shape_cast %get3A_374 : vector<1x16xi32> to vector<16xi32>
          %max3A = arith.constant 0 : i32
          %max3A_376 = vector.broadcast %max3A : i32 to vector<16xi32>
          %max3A_377 = arith.maxsi %get3A_375, %max3A_376 : vector<16xi32>
          %min3A = arith.constant 1025 : i32
          %min3A_378 = vector.broadcast %min3A : i32 to vector<16xi32>
          %min3A_379 = arith.minsi %max3A_377, %min3A_378 : vector<16xi32>
          %mul3A_380 = arith.constant 16 : i32
          %mul3A_381 = arith.muli %scan3A_370, %mul3A_380 : i32
          %swap3A = arith.index_cast %add3A_112 : i32 to index
          %swap3A_382 = arith.index_cast %mul3A_381 : i32 to index
          %swap3A_383 = tpu.vector_load %arg5[%swap3A, %swap3A_382] {strides = array<i32>} : memref<200x128xi32, #tpu.memory_space<vmem>>, vector<1x16xi32>,
          %swap3A_384 = vector.shape_cast %swap3A_383 : vector<1x16xi32> to vector<16xi32>
          %swap3A_385 = vector.shape_cast %min3A_379 : vector<16xi32> to vector<1x16xi32>
          tpu.vector_store %arg5[%swap3A, %swap3A_382], %swap3A_385 {strides = array<i32>} : memref<200x128xi32, #tpu.memory_space<vmem>>, vector<1x16xi32>,
        }
        %scan3A_369 = arith.constant 8 : i32
      } else {
      }
      %add3A_117 = arith.constant 7 : i32
      %add3A_118 = arith.addi %mul3A_110, %add3A_117 : i32
      %lt3A_119 = arith.constant 200 : i32
      %lt3A_120 = arith.cmpi slt, %add3A_118, %lt3A_119 : i32
      %convert_element_type3A_121 = arith.extui %lt3A_120 : i1 to i32
      %cond3A_122 = arith.constant 0 : i32
      %cond3A_123 = arith.cmpi ne, %convert_element_type3A_121, %cond3A_122 : i32
      scf.if %cond3A_123 {
        %scan3A_364 = arith.constant 0 : i32
        %scan3A_365 = arith.constant 0 : i32
        %scan3A_366 = arith.constant 8 : i32
        %scan3A_367 = arith.addi %scan3A_365, %scan3A_366 : i32
        %scan3A_368 = arith.constant 1 : i32
        scf.for %scan3A_370 = %scan3A_365 to %scan3A_367 step %scan3A_368  : i32 {
          %mul3A_371 = arith.constant 16 : i32
          %mul3A_372 = arith.muli %scan3A_370, %mul3A_371 : i32
          %get3A = arith.index_cast %add3A_118 : i32 to index
          %get3A_373 = arith.index_cast %mul3A_372 : i32 to index
          %get3A_374 = tpu.vector_load %arg5[%get3A, %get3A_373] {strides = array<i32>} : memref<200x128xi32, #tpu.memory_space<vmem>>, vector<1x16xi32>,
          %get3A_375 = vector.shape_cast %get3A_374 : vector<1x16xi32> to vector<16xi32>
          %max3A = arith.constant 0 : i32
          %max3A_376 = vector.broadcast %max3A : i32 to vector<16xi32>
          %max3A_377 = arith.maxsi %get3A_375, %max3A_376 : vector<16xi32>
          %min3A = arith.constant 1025 : i32
          %min3A_378 = vector.broadcast %min3A : i32 to vector<16xi32>
          %min3A_379 = arith.minsi %max3A_377, %min3A_378 : vector<16xi32>
          %mul3A_380 = arith.constant 16 : i32
          %mul3A_381 = arith.muli %scan3A_370, %mul3A_380 : i32
          %swap3A = arith.index_cast %add3A_118 : i32 to index
          %swap3A_382 = arith.index_cast %mul3A_381 : i32 to index
          %swap3A_383 = tpu.vector_load %arg5[%swap3A, %swap3A_382] {strides = array<i32>} : memref<200x128xi32, #tpu.memory_space<vmem>>, vector<1x16xi32>,
          %swap3A_384 = vector.shape_cast %swap3A_383 : vector<1x16xi32> to vector<16xi32>
          %swap3A_385 = vector.shape_cast %min3A_379 : vector<16xi32> to vector<1x16xi32>
          tpu.vector_store %arg5[%swap3A, %swap3A_382], %swap3A_385 {strides = array<i32>} : memref<200x128xi32, #tpu.memory_space<vmem>>, vector<1x16xi32>,
        }
        %scan3A_369 = arith.constant 8 : i32
      } else {
      }
      %add3A_124 = arith.constant 8 : i32
      %add3A_125 = arith.addi %mul3A_110, %add3A_124 : i32
      %lt3A_126 = arith.constant 200 : i32
      %lt3A_127 = arith.cmpi slt, %add3A_125, %lt3A_126 : i32
      %convert_element_type3A_128 = arith.extui %lt3A_127 : i1 to i32
      %cond3A_129 = arith.constant 0 : i32
      %cond3A_130 = arith.cmpi ne, %convert_element_type3A_128, %cond3A_129 : i32
      scf.if %cond3A_130 {
        %scan3A_364 = arith.constant 0 : i32
        %scan3A_365 = arith.constant 0 : i32
        %scan3A_366 = arith.constant 8 : i32
        %scan3A_367 = arith.addi %scan3A_365, %scan3A_366 : i32
        %scan3A_368 = arith.constant 1 : i32
        scf.for %scan3A_370 = %scan3A_365 to %scan3A_367 step %scan3A_368  : i32 {
          %mul3A_371 = arith.constant 16 : i32
          %mul3A_372 = arith.muli %scan3A_370, %mul3A_371 : i32
          %get3A = arith.index_cast %add3A_125 : i32 to index
          %get3A_373 = arith.index_cast %mul3A_372 : i32 to index
          %get3A_374 = tpu.vector_load %arg5[%get3A, %get3A_373] {strides = array<i32>} : memref<200x128xi32, #tpu.memory_space<vmem>>, vector<1x16xi32>,
          %get3A_375 = vector.shape_cast %get3A_374 : vector<1x16xi32> to vector<16xi32>
          %max3A = arith.constant 0 : i32
          %max3A_376 = vector.broadcast %max3A : i32 to vector<16xi32>
          %max3A_377 = arith.maxsi %get3A_375, %max3A_376 : vector<16xi32>
          %min3A = arith.constant 1025 : i32
          %min3A_378 = vector.broadcast %min3A : i32 to vector<16xi32>
          %min3A_379 = arith.minsi %max3A_377, %min3A_378 : vector<16xi32>
          %mul3A_380 = arith.constant 16 : i32
          %mul3A_381 = arith.muli %scan3A_370, %mul3A_380 : i32
          %swap3A = arith.index_cast %add3A_125 : i32 to index
          %swap3A_382 = arith.index_cast %mul3A_381 : i32 to index
          %swap3A_383 = tpu.vector_load %arg5[%swap3A, %swap3A_382] {strides = array<i32>} : memref<200x128xi32, #tpu.memory_space<vmem>>, vector<1x16xi32>,
          %swap3A_384 = vector.shape_cast %swap3A_383 : vector<1x16xi32> to vector<16xi32>
          %swap3A_385 = vector.shape_cast %min3A_379 : vector<16xi32> to vector<1x16xi32>
          tpu.vector_store %arg5[%swap3A, %swap3A_382], %swap3A_385 {strides = array<i32>} : memref<200x128xi32, #tpu.memory_space<vmem>>, vector<1x16xi32>,
        }
        %scan3A_369 = arith.constant 8 : i32
      } else {
      }
      %add3A_131 = arith.constant 9 : i32
      %add3A_132 = arith.addi %mul3A_110, %add3A_131 : i32
      %lt3A_133 = arith.constant 200 : i32
      %lt3A_134 = arith.cmpi slt, %add3A_132, %lt3A_133 : i32
      %convert_element_type3A_135 = arith.extui %lt3A_134 : i1 to i32
      %cond3A_136 = arith.constant 0 : i32
      %cond3A_137 = arith.cmpi ne, %convert_element_type3A_135, %cond3A_136 : i32
      scf.if %cond3A_137 {
        %scan3A_364 = arith.constant 0 : i32
        %scan3A_365 = arith.constant 0 : i32
        %scan3A_366 = arith.constant 8 : i32
        %scan3A_367 = arith.addi %scan3A_365, %scan3A_366 : i32
        %scan3A_368 = arith.constant 1 : i32
        scf.for %scan3A_370 = %scan3A_365 to %scan3A_367 step %scan3A_368  : i32 {
          %mul3A_371 = arith.constant 16 : i32
          %mul3A_372 = arith.muli %scan3A_370, %mul3A_371 : i32
          %get3A = arith.index_cast %add3A_132 : i32 to index
          %get3A_373 = arith.index_cast %mul3A_372 : i32 to index
          %get3A_374 = tpu.vector_load %arg5[%get3A, %get3A_373] {strides = array<i32>} : memref<200x128xi32, #tpu.memory_space<vmem>>, vector<1x16xi32>,
          %get3A_375 = vector.shape_cast %get3A_374 : vector<1x16xi32> to vector<16xi32>
          %max3A = arith.constant 0 : i32
          %max3A_376 = vector.broadcast %max3A : i32 to vector<16xi32>
          %max3A_377 = arith.maxsi %get3A_375, %max3A_376 : vector<16xi32>
          %min3A = arith.constant 1025 : i32
          %min3A_378 = vector.broadcast %min3A : i32 to vector<16xi32>
          %min3A_379 = arith.minsi %max3A_377, %min3A_378 : vector<16xi32>
          %mul3A_380 = arith.constant 16 : i32
          %mul3A_381 = arith.muli %scan3A_370, %mul3A_380 : i32
          %swap3A = arith.index_cast %add3A_132 : i32 to index
          %swap3A_382 = arith.index_cast %mul3A_381 : i32 to index
          %swap3A_383 = tpu.vector_load %arg5[%swap3A, %swap3A_382] {strides = array<i32>} : memref<200x128xi32, #tpu.memory_space<vmem>>, vector<1x16xi32>,
          %swap3A_384 = vector.shape_cast %swap3A_383 : vector<1x16xi32> to vector<16xi32>
          %swap3A_385 = vector.shape_cast %min3A_379 : vector<16xi32> to vector<1x16xi32>
          tpu.vector_store %arg5[%swap3A, %swap3A_382], %swap3A_385 {strides = array<i32>} : memref<200x128xi32, #tpu.memory_space<vmem>>, vector<1x16xi32>,
        }
        %scan3A_369 = arith.constant 8 : i32
      } else {
      }
      %dma_wait3A_138 = arith.constant 0 : i32
      %dma_wait3A_139 = arith.constant 0 : i32
      %dma_wait3A_140 = arith.constant 0 : i32
      %dma_wait3A_141 = tpu.memref_slice %arg6[%dma_wait3A_138, %dma_wait3A_139, %dma_wait3A_140] : memref<4x128x128xf32, #tpu.memory_space<vmem>> -> memref<1x128x128xf32, #tpu.memory_space<vmem>>
      %dma_wait3A_142 = tpu.memref_squeeze %dma_wait3A_141 : memref<1x128x128xf32, #tpu.memory_space<vmem>> -> memref<128x128xf32, #tpu.memory_space<vmem>>
      %dma_wait3A_143 = arith.constant 0 : i32
      %dma_wait3A_144 = tpu.memref_slice %arg5[%mul3A_110, %dma_wait3A_143] : memref<200x128xi32, #tpu.memory_space<vmem>> -> memref<1x128xi32, #tpu.memory_space<vmem>>
      %dma_wait3A_145 = tpu.memref_squeeze %dma_wait3A_144 : memref<1x128xi32, #tpu.memory_space<vmem>> -> memref<128xi32, #tpu.memory_space<vmem>>
      %dma_wait3A_146 = arith.constant 0 : i32
      %dma_wait3A_147 = arith.constant 0 : i32
      %dma_wait3A_148 = tpu.memref_slice %arg7[%dma_wait3A_146, %dma_wait3A_147] : memref<1032x128xf32, #tpu.memory_space<vmem_shared>> -> memref<1032x128xf32, #tpu.memory_space<vmem_shared>>
      tpu.wait_indirect_dma semaphore(%arg8 : memref<!tpu.dma_semaphore, #tpu.memory_space<semaphore_mem>>) src(%dma_wait3A_148 : memref<1032x128xf32, #tpu.memory_space<vmem_shared>>) dst(%dma_wait3A_142 : memref<128x128xf32, #tpu.memory_space<vmem>>)
      %dma_start3A_149 = arith.constant 0 : i32
      %dma_start3A_150 = arith.constant 0 : i32
      %dma_start3A_151 = arith.constant 0 : i32
      %dma_start3A_152 = tpu.memref_slice %arg6[%dma_start3A_149, %dma_start3A_150, %dma_start3A_151] : memref<4x128x128xf32, #tpu.memory_space<vmem>> -> memref<1x128x128xf32, #tpu.memory_space<vmem>>
      %dma_start3A_153 = tpu.memref_squeeze %dma_start3A_152 : memref<1x128x128xf32, #tpu.memory_space<vmem>> -> memref<128x128xf32, #tpu.memory_space<vmem>>
      %dma_start3A_154 = arith.constant 0 : i32
      %dma_start3A_155 = arith.constant 0 : i32
      %dma_start3A_156 = tpu.memref_slice %arg4[%add3A, %mul3A_110, %dma_start3A_154, %dma_start3A_155] : memref<32x200x128x128xf32, #tpu.memory_space<hbm>> -> memref<1x1x128x128xf32, #tpu.memory_space<hbm>>
      %dma_start3A_157 = tpu.memref_squeeze %dma_start3A_156 : memref<1x1x128x128xf32, #tpu.memory_space<hbm>> -> memref<128x128xf32, #tpu.memory_space<hbm>>
      %dma_start3A_158 = arith.constant 0 : i32
      %dma_start3A_159 = arith.constant 0 : i32
      %dma_start3A_160 = tpu.memref_slice %arg4[%add3A, %mul3A_110, %dma_start3A_158, %dma_start3A_159] : memref<32x200x128x128xf32, #tpu.memory_space<hbm>> -> memref<1x1x128x128xf32, #tpu.memory_space<hbm>>
      %dma_start3A_161 = tpu.memref_squeeze %dma_start3A_160 : memref<1x1x128x128xf32, #tpu.memory_space<hbm>> -> memref<128x128xf32, #tpu.memory_space<hbm>>
      %dma_start3A_162 = arith.constant 0 : i32
      %dma_start3A_163 = arith.constant 0 : i32
      %dma_start3A_164 = tpu.memref_slice %arg6[%dma_start3A_149, %dma_start3A_162, %dma_start3A_163] : memref<4x128x128xf32, #tpu.memory_space<vmem>> -> memref<1x128x128xf32, #tpu.memory_space<vmem>>
      %dma_start3A_165 = tpu.memref_squeeze %dma_start3A_164 : memref<1x128x128xf32, #tpu.memory_space<vmem>> -> memref<128x128xf32, #tpu.memory_space<vmem>>
      tpu.enqueue_dma source(%dma_start3A_165 : memref<128x128xf32, #tpu.memory_space<vmem>>) target(%dma_start3A_161 : memref<128x128xf32, #tpu.memory_space<hbm>>) target_semaphore(%arg12 : memref<!tpu.dma_semaphore, #tpu.memory_space<semaphore_mem>>)
      %gt3A = arith.constant 0 : i32
      %gt3A_166 = arith.cmpi sgt, %scan3A_108, %gt3A : i32
      %convert_element_type3A_167 = arith.extui %gt3A_166 : i1 to i32
      %cond3A_168 = arith.constant 0 : i32
      %cond3A_169 = arith.cmpi ne, %convert_element_type3A_167, %cond3A_168 : i32
      scf.if %cond3A_169 {
        %sub3A = arith.constant 2 : i32
        %sub3A_364 = arith.subi %mul3A_110, %sub3A : i32
        %dma_wait3A_365 = arith.constant 2 : i32
        %dma_wait3A_366 = arith.constant 0 : i32
        %dma_wait3A_367 = arith.constant 0 : i32
        %dma_wait3A_368 = tpu.memref_slice %arg6[%dma_wait3A_365, %dma_wait3A_366, %dma_wait3A_367] : memref<4x128x128xf32, #tpu.memory_space<vmem>> -> memref<1x128x128xf32, #tpu.memory_space<vmem>>
        %dma_wait3A_369 = tpu.memref_squeeze %dma_wait3A_368 : memref<1x128x128xf32, #tpu.memory_space<vmem>> -> memref<128x128xf32, #tpu.memory_space<vmem>>
        %dma_wait3A_370 = arith.constant 0 : i32
        %dma_wait3A_371 = arith.constant 0 : i32
        %dma_wait3A_372 = tpu.memref_slice %arg4[%add3A, %sub3A_364, %dma_wait3A_370, %dma_wait3A_371] : memref<32x200x128x128xf32, #tpu.memory_space<hbm>> -> memref<1x1x128x128xf32, #tpu.memory_space<hbm>>
        %dma_wait3A_373 = tpu.memref_squeeze %dma_wait3A_372 : memref<1x1x128x128xf32, #tpu.memory_space<hbm>> -> memref<128x128xf32, #tpu.memory_space<hbm>>
        %dma_wait3A_374 = arith.constant 0 : i32
        %dma_wait3A_375 = arith.constant 0 : i32
        %dma_wait3A_376 = tpu.memref_slice %arg4[%add3A, %sub3A_364, %dma_wait3A_374, %dma_wait3A_375] : memref<32x200x128x128xf32, #tpu.memory_space<hbm>> -> memref<1x1x128x128xf32, #tpu.memory_space<hbm>>
        %dma_wait3A_377 = tpu.memref_squeeze %dma_wait3A_376 : memref<1x1x128x128xf32, #tpu.memory_space<hbm>> -> memref<128x128xf32, #tpu.memory_space<hbm>>
        %dma_wait3A_378 = arith.constant 0 : i32
        %dma_wait3A_379 = arith.constant 0 : i32
        %dma_wait3A_380 = tpu.memref_slice %arg6[%dma_wait3A_365, %dma_wait3A_378, %dma_wait3A_379] : memref<4x128x128xf32, #tpu.memory_space<vmem>> -> memref<1x128x128xf32, #tpu.memory_space<vmem>>
        %dma_wait3A_381 = tpu.memref_squeeze %dma_wait3A_380 : memref<1x128x128xf32, #tpu.memory_space<vmem>> -> memref<128x128xf32, #tpu.memory_space<vmem>>
        tpu.wait_dma2 semaphore(%arg14 : memref<!tpu.dma_semaphore, #tpu.memory_space<semaphore_mem>>) src(%dma_wait3A_381 : memref<128x128xf32, #tpu.memory_space<vmem>>) dst(%dma_wait3A_377 : memref<128x128xf32, #tpu.memory_space<hbm>>)
      } else {
      }
      %add3A_170 = arith.constant 2 : i32
      %add3A_171 = arith.addi %mul3A_110, %add3A_170 : i32
      %jit3A = arith.constant 16 : i32
      %eq3A_172 = arith.constant 0 : i32
      %eq3A_173 = arith.cmpi eq, %jit3A, %eq3A_172 : i32
      %jit3A_174 = arith.constant 1 : i32
      %select_n3A = arith.select %eq3A_173, %jit3A_174, %jit3A : i32
      %rem3A = arith.remsi %add3A_171, %select_n3A : i32
      %ne3A = arith.constant 0 : i32
      %ne3A_175 = arith.cmpi ne, %rem3A, %ne3A : i32
      %lt3A_176 = arith.constant 0 : i32
      %lt3A_177 = arith.cmpi slt, %rem3A, %lt3A_176 : i32
      %lt3A_178 = arith.constant 0 : i32
      %lt3A_179 = arith.cmpi slt, %select_n3A, %lt3A_178 : i32
      %ne3A_180 = arith.xori %lt3A_177, %lt3A_179 : i1
      %and3A = arith.andi %ne3A_180, %ne3A_175 : i1
      %add3A_181 = arith.addi %rem3A, %select_n3A : i32
      %select_n3A_182 = arith.select %and3A, %add3A_181, %rem3A : i32
      %eq3A_183 = arith.constant 15 : i32
      %eq3A_184 = arith.cmpi eq, %select_n3A_182, %eq3A_183 : i32
      %convert_element_type3A_185 = arith.extui %eq3A_184 : i1 to i32
      %cond3A_186 = arith.constant 0 : i32
      %cond3A_187 = arith.cmpi ne, %convert_element_type3A_185, %cond3A_186 : i32
      scf.if %cond3A_187 {
        %dma_start3A_364 = arith.constant 2 : i32
        %dma_start3A_365 = arith.constant 0 : i32
        %dma_start3A_366 = arith.constant 0 : i32
        %dma_start3A_367 = tpu.memref_slice %arg6[%dma_start3A_364, %dma_start3A_365, %dma_start3A_366] : memref<4x128x128xf32, #tpu.memory_space<vmem>> -> memref<1x128x128xf32, #tpu.memory_space<vmem>>
        %dma_start3A_368 = tpu.memref_squeeze %dma_start3A_367 : memref<1x128x128xf32, #tpu.memory_space<vmem>> -> memref<128x128xf32, #tpu.memory_space<vmem>>
        %dma_start3A_369 = arith.constant 0 : i32
        %dma_start3A_370 = tpu.memref_slice %arg5[%add3A_171, %dma_start3A_369] : memref<200x128xi32, #tpu.memory_space<vmem>> -> memref<1x128xi32, #tpu.memory_space<vmem>>
        %dma_start3A_371 = tpu.memref_squeeze %dma_start3A_370 : memref<1x128xi32, #tpu.memory_space<vmem>> -> memref<128xi32, #tpu.memory_space<vmem>>
        %dma_start3A_372 = arith.constant 0 : i32
        %dma_start3A_373 = arith.constant 0 : i32
        %dma_start3A_374 = tpu.memref_slice %arg2[%dma_start3A_372, %dma_start3A_373] : memref<1032x128xf32, #tpu.memory_space<hbm>> -> memref<1032x128xf32, #tpu.memory_space<hbm>>
        tpu.enqueue_indirect_dma source(%dma_start3A_374 : memref<1032x128xf32, #tpu.memory_space<hbm>>) target(%dma_start3A_368 : memref<128x128xf32, #tpu.memory_space<vmem>>) offsets(%dma_start3A_371 : memref<128xi32, #tpu.memory_space<vmem>>) semaphore(%arg10 : memref<!tpu.dma_semaphore, #tpu.memory_space<semaphore_mem>>)
      } else {
      }
      %jit3A_188 = arith.constant 16 : i32
      %eq3A_189 = arith.constant 0 : i32
      %eq3A_190 = arith.cmpi eq, %jit3A_188, %eq3A_189 : i32
      %jit3A_191 = arith.constant 1 : i32
      %select_n3A_192 = arith.select %eq3A_190, %jit3A_191, %jit3A_188 : i32
      %rem3A_193 = arith.remsi %add3A_171, %select_n3A_192 : i32
      %ne3A_194 = arith.constant 0 : i32
      %ne3A_195 = arith.cmpi ne, %rem3A_193, %ne3A_194 : i32
      %lt3A_196 = arith.constant 0 : i32
      %lt3A_197 = arith.cmpi slt, %rem3A_193, %lt3A_196 : i32
      %lt3A_198 = arith.constant 0 : i32
      %lt3A_199 = arith.cmpi slt, %select_n3A_192, %lt3A_198 : i32
      %ne3A_200 = arith.xori %lt3A_197, %lt3A_199 : i1
      %and3A_201 = arith.andi %ne3A_200, %ne3A_195 : i1
      %add3A_202 = arith.addi %rem3A_193, %select_n3A_192 : i32
      %select_n3A_203 = arith.select %and3A_201, %add3A_202, %rem3A_193 : i32
      %ne3A_204 = arith.constant 15 : i32
      %ne3A_205 = arith.cmpi ne, %select_n3A_203, %ne3A_204 : i32
      %convert_element_type3A_206 = arith.extui %ne3A_205 : i1 to i32
      %cond3A_207 = arith.constant 0 : i32
      %cond3A_208 = arith.cmpi ne, %convert_element_type3A_206, %cond3A_207 : i32
      scf.if %cond3A_208 {
        %dma_start3A_364 = arith.constant 2 : i32
        %dma_start3A_365 = arith.constant 0 : i32
        %dma_start3A_366 = arith.constant 0 : i32
        %dma_start3A_367 = tpu.memref_slice %arg6[%dma_start3A_364, %dma_start3A_365, %dma_start3A_366] : memref<4x128x128xf32, #tpu.memory_space<vmem>> -> memref<1x128x128xf32, #tpu.memory_space<vmem>>
        %dma_start3A_368 = tpu.memref_squeeze %dma_start3A_367 : memref<1x128x128xf32, #tpu.memory_space<vmem>> -> memref<128x128xf32, #tpu.memory_space<vmem>>
        %dma_start3A_369 = arith.constant 0 : i32
        %dma_start3A_370 = tpu.memref_slice %arg5[%add3A_171, %dma_start3A_369] : memref<200x128xi32, #tpu.memory_space<vmem>> -> memref<1x128xi32, #tpu.memory_space<vmem>>
        %dma_start3A_371 = tpu.memref_squeeze %dma_start3A_370 : memref<1x128xi32, #tpu.memory_space<vmem>> -> memref<128xi32, #tpu.memory_space<vmem>>
        %dma_start3A_372 = arith.constant 0 : i32
        %dma_start3A_373 = arith.constant 0 : i32
        %dma_start3A_374 = tpu.memref_slice %arg7[%dma_start3A_372, %dma_start3A_373] : memref<1032x128xf32, #tpu.memory_space<vmem_shared>> -> memref<1032x128xf32, #tpu.memory_space<vmem_shared>>
        tpu.enqueue_indirect_dma source(%dma_start3A_374 : memref<1032x128xf32, #tpu.memory_space<vmem_shared>>) target(%dma_start3A_368 : memref<128x128xf32, #tpu.memory_space<vmem>>) offsets(%dma_start3A_371 : memref<128xi32, #tpu.memory_space<vmem>>) semaphore(%arg10 : memref<!tpu.dma_semaphore, #tpu.memory_space<semaphore_mem>>)
      } else {
      }
      %add3A_209 = arith.constant 1 : i32
      %add3A_210 = arith.addi %mul3A_110, %add3A_209 : i32
      %dma_wait3A_211 = arith.constant 1 : i32
      %dma_wait3A_212 = arith.constant 0 : i32
      %dma_wait3A_213 = arith.constant 0 : i32
      %dma_wait3A_214 = tpu.memref_slice %arg6[%dma_wait3A_211, %dma_wait3A_212, %dma_wait3A_213] : memref<4x128x128xf32, #tpu.memory_space<vmem>> -> memref<1x128x128xf32, #tpu.memory_space<vmem>>
      %dma_wait3A_215 = tpu.memref_squeeze %dma_wait3A_214 : memref<1x128x128xf32, #tpu.memory_space<vmem>> -> memref<128x128xf32, #tpu.memory_space<vmem>>
      %dma_wait3A_216 = arith.constant 0 : i32
      %dma_wait3A_217 = tpu.memref_slice %arg5[%add3A_210, %dma_wait3A_216] : memref<200x128xi32, #tpu.memory_space<vmem>> -> memref<1x128xi32, #tpu.memory_space<vmem>>
      %dma_wait3A_218 = tpu.memref_squeeze %dma_wait3A_217 : memref<1x128xi32, #tpu.memory_space<vmem>> -> memref<128xi32, #tpu.memory_space<vmem>>
      %dma_wait3A_219 = arith.constant 0 : i32
      %dma_wait3A_220 = arith.constant 0 : i32
      %dma_wait3A_221 = tpu.memref_slice %arg7[%dma_wait3A_219, %dma_wait3A_220] : memref<1032x128xf32, #tpu.memory_space<vmem_shared>> -> memref<1032x128xf32, #tpu.memory_space<vmem_shared>>
      tpu.wait_indirect_dma semaphore(%arg9 : memref<!tpu.dma_semaphore, #tpu.memory_space<semaphore_mem>>) src(%dma_wait3A_221 : memref<1032x128xf32, #tpu.memory_space<vmem_shared>>) dst(%dma_wait3A_215 : memref<128x128xf32, #tpu.memory_space<vmem>>)
      %add3A_222 = arith.constant 1 : i32
      %add3A_223 = arith.addi %mul3A_110, %add3A_222 : i32
      %dma_start3A_224 = arith.constant 1 : i32
      %dma_start3A_225 = arith.constant 0 : i32
      %dma_start3A_226 = arith.constant 0 : i32
      %dma_start3A_227 = tpu.memref_slice %arg6[%dma_start3A_224, %dma_start3A_225, %dma_start3A_226] : memref<4x128x128xf32, #tpu.memory_space<vmem>> -> memref<1x128x128xf32, #tpu.memory_space<vmem>>
      %dma_start3A_228 = tpu.memref_squeeze %dma_start3A_227 : memref<1x128x128xf32, #tpu.memory_space<vmem>> -> memref<128x128xf32, #tpu.memory_space<vmem>>
      %dma_start3A_229 = arith.constant 0 : i32
      %dma_start3A_230 = arith.constant 0 : i32
      %dma_start3A_231 = tpu.memref_slice %arg4[%add3A, %add3A_223, %dma_start3A_229, %dma_start3A_230] : memref<32x200x128x128xf32, #tpu.memory_space<hbm>> -> memref<1x1x128x128xf32, #tpu.memory_space<hbm>>
      %dma_start3A_232 = tpu.memref_squeeze %dma_start3A_231 : memref<1x1x128x128xf32, #tpu.memory_space<hbm>> -> memref<128x128xf32, #tpu.memory_space<hbm>>
      %dma_start3A_233 = arith.constant 0 : i32
      %dma_start3A_234 = arith.constant 0 : i32
      %dma_start3A_235 = tpu.memref_slice %arg4[%add3A, %add3A_223, %dma_start3A_233, %dma_start3A_234] : memref<32x200x128x128xf32, #tpu.memory_space<hbm>> -> memref<1x1x128x128xf32, #tpu.memory_space<hbm>>
      %dma_start3A_236 = tpu.memref_squeeze %dma_start3A_235 : memref<1x1x128x128xf32, #tpu.memory_space<hbm>> -> memref<128x128xf32, #tpu.memory_space<hbm>>
      %dma_start3A_237 = arith.constant 0 : i32
      %dma_start3A_238 = arith.constant 0 : i32
      %dma_start3A_239 = tpu.memref_slice %arg6[%dma_start3A_224, %dma_start3A_237, %dma_start3A_238] : memref<4x128x128xf32, #tpu.memory_space<vmem>> -> memref<1x128x128xf32, #tpu.memory_space<vmem>>
      %dma_start3A_240 = tpu.memref_squeeze %dma_start3A_239 : memref<1x128x128xf32, #tpu.memory_space<vmem>> -> memref<128x128xf32, #tpu.memory_space<vmem>>
      tpu.enqueue_dma source(%dma_start3A_240 : memref<128x128xf32, #tpu.memory_space<vmem>>) target(%dma_start3A_236 : memref<128x128xf32, #tpu.memory_space<hbm>>) target_semaphore(%arg13 : memref<!tpu.dma_semaphore, #tpu.memory_space<semaphore_mem>>)
      %gt3A_241 = arith.constant 0 : i32
      %gt3A_242 = arith.cmpi sgt, %scan3A_108, %gt3A_241 : i32
      %convert_element_type3A_243 = arith.extui %gt3A_242 : i1 to i32
      %cond3A_244 = arith.constant 0 : i32
      %cond3A_245 = arith.cmpi ne, %convert_element_type3A_243, %cond3A_244 : i32
      scf.if %cond3A_245 {
        %sub3A = arith.constant 1 : i32
        %sub3A_364 = arith.subi %mul3A_110, %sub3A : i32
        %dma_wait3A_365 = arith.constant 3 : i32
        %dma_wait3A_366 = arith.constant 0 : i32
        %dma_wait3A_367 = arith.constant 0 : i32
        %dma_wait3A_368 = tpu.memref_slice %arg6[%dma_wait3A_365, %dma_wait3A_366, %dma_wait3A_367] : memref<4x128x128xf32, #tpu.memory_space<vmem>> -> memref<1x128x128xf32, #tpu.memory_space<vmem>>
        %dma_wait3A_369 = tpu.memref_squeeze %dma_wait3A_368 : memref<1x128x128xf32, #tpu.memory_space<vmem>> -> memref<128x128xf32, #tpu.memory_space<vmem>>
        %dma_wait3A_370 = arith.constant 0 : i32
        %dma_wait3A_371 = arith.constant 0 : i32
        %dma_wait3A_372 = tpu.memref_slice %arg4[%add3A, %sub3A_364, %dma_wait3A_370, %dma_wait3A_371] : memref<32x200x128x128xf32, #tpu.memory_space<hbm>> -> memref<1x1x128x128xf32, #tpu.memory_space<hbm>>
        %dma_wait3A_373 = tpu.memref_squeeze %dma_wait3A_372 : memref<1x1x128x128xf32, #tpu.memory_space<hbm>> -> memref<128x128xf32, #tpu.memory_space<hbm>>
        %dma_wait3A_374 = arith.constant 0 : i32
        %dma_wait3A_375 = arith.constant 0 : i32
        %dma_wait3A_376 = tpu.memref_slice %arg4[%add3A, %sub3A_364, %dma_wait3A_374, %dma_wait3A_375] : memref<32x200x128x128xf32, #tpu.memory_space<hbm>> -> memref<1x1x128x128xf32, #tpu.memory_space<hbm>>
        %dma_wait3A_377 = tpu.memref_squeeze %dma_wait3A_376 : memref<1x1x128x128xf32, #tpu.memory_space<hbm>> -> memref<128x128xf32, #tpu.memory_space<hbm>>
        %dma_wait3A_378 = arith.constant 0 : i32
        %dma_wait3A_379 = arith.constant 0 : i32
        %dma_wait3A_380 = tpu.memref_slice %arg6[%dma_wait3A_365, %dma_wait3A_378, %dma_wait3A_379] : memref<4x128x128xf32, #tpu.memory_space<vmem>> -> memref<1x128x128xf32, #tpu.memory_space<vmem>>
        %dma_wait3A_381 = tpu.memref_squeeze %dma_wait3A_380 : memref<1x128x128xf32, #tpu.memory_space<vmem>> -> memref<128x128xf32, #tpu.memory_space<vmem>>
        tpu.wait_dma2 semaphore(%arg15 : memref<!tpu.dma_semaphore, #tpu.memory_space<semaphore_mem>>) src(%dma_wait3A_381 : memref<128x128xf32, #tpu.memory_space<vmem>>) dst(%dma_wait3A_377 : memref<128x128xf32, #tpu.memory_space<hbm>>)
      } else {
      }
      %add3A_246 = arith.constant 3 : i32
      %add3A_247 = arith.addi %mul3A_110, %add3A_246 : i32
      %jit3A_248 = arith.constant 16 : i32
      %eq3A_249 = arith.constant 0 : i32
      %eq3A_250 = arith.cmpi eq, %jit3A_248, %eq3A_249 : i32
      %jit3A_251 = arith.constant 1 : i32
      %select_n3A_252 = arith.select %eq3A_250, %jit3A_251, %jit3A_248 : i32
      %rem3A_253 = arith.remsi %add3A_247, %select_n3A_252 : i32
      %ne3A_254 = arith.constant 0 : i32
      %ne3A_255 = arith.cmpi ne, %rem3A_253, %ne3A_254 : i32
      %lt3A_256 = arith.constant 0 : i32
      %lt3A_257 = arith.cmpi slt, %rem3A_253, %lt3A_256 : i32
      %lt3A_258 = arith.constant 0 : i32
      %lt3A_259 = arith.cmpi slt, %select_n3A_252, %lt3A_258 : i32
      %ne3A_260 = arith.xori %lt3A_257, %lt3A_259 : i1
      %and3A_261 = arith.andi %ne3A_260, %ne3A_255 : i1
      %add3A_262 = arith.addi %rem3A_253, %select_n3A_252 : i32
      %select_n3A_263 = arith.select %and3A_261, %add3A_262, %rem3A_253 : i32
      %eq3A_264 = arith.constant 15 : i32
      %eq3A_265 = arith.cmpi eq, %select_n3A_263, %eq3A_264 : i32
      %convert_element_type3A_266 = arith.extui %eq3A_265 : i1 to i32
      %cond3A_267 = arith.constant 0 : i32
      %cond3A_268 = arith.cmpi ne, %convert_element_type3A_266, %cond3A_267 : i32
      scf.if %cond3A_268 {
        %dma_start3A_364 = arith.constant 3 : i32
        %dma_start3A_365 = arith.constant 0 : i32
        %dma_start3A_366 = arith.constant 0 : i32
        %dma_start3A_367 = tpu.memref_slice %arg6[%dma_start3A_364, %dma_start3A_365, %dma_start3A_366] : memref<4x128x128xf32, #tpu.memory_space<vmem>> -> memref<1x128x128xf32, #tpu.memory_space<vmem>>
        %dma_start3A_368 = tpu.memref_squeeze %dma_start3A_367 : memref<1x128x128xf32, #tpu.memory_space<vmem>> -> memref<128x128xf32, #tpu.memory_space<vmem>>
        %dma_start3A_369 = arith.constant 0 : i32
        %dma_start3A_370 = tpu.memref_slice %arg5[%add3A_247, %dma_start3A_369] : memref<200x128xi32, #tpu.memory_space<vmem>> -> memref<1x128xi32, #tpu.memory_space<vmem>>
        %dma_start3A_371 = tpu.memref_squeeze %dma_start3A_370 : memref<1x128xi32, #tpu.memory_space<vmem>> -> memref<128xi32, #tpu.memory_space<vmem>>
        %dma_start3A_372 = arith.constant 0 : i32
        %dma_start3A_373 = arith.constant 0 : i32
        %dma_start3A_374 = tpu.memref_slice %arg2[%dma_start3A_372, %dma_start3A_373] : memref<1032x128xf32, #tpu.memory_space<hbm>> -> memref<1032x128xf32, #tpu.memory_space<hbm>>
        tpu.enqueue_indirect_dma source(%dma_start3A_374 : memref<1032x128xf32, #tpu.memory_space<hbm>>) target(%dma_start3A_368 : memref<128x128xf32, #tpu.memory_space<vmem>>) offsets(%dma_start3A_371 : memref<128xi32, #tpu.memory_space<vmem>>) semaphore(%arg11 : memref<!tpu.dma_semaphore, #tpu.memory_space<semaphore_mem>>)
      } else {
      }
      %jit3A_269 = arith.constant 16 : i32
      %eq3A_270 = arith.constant 0 : i32
      %eq3A_271 = arith.cmpi eq, %jit3A_269, %eq3A_270 : i32
      %jit3A_272 = arith.constant 1 : i32
      %select_n3A_273 = arith.select %eq3A_271, %jit3A_272, %jit3A_269 : i32
      %rem3A_274 = arith.remsi %add3A_247, %select_n3A_273 : i32
      %ne3A_275 = arith.constant 0 : i32
      %ne3A_276 = arith.cmpi ne, %rem3A_274, %ne3A_275 : i32
      %lt3A_277 = arith.constant 0 : i32
      %lt3A_278 = arith.cmpi slt, %rem3A_274, %lt3A_277 : i32
      %lt3A_279 = arith.constant 0 : i32
      %lt3A_280 = arith.cmpi slt, %select_n3A_273, %lt3A_279 : i32
      %ne3A_281 = arith.xori %lt3A_278, %lt3A_280 : i1
      %and3A_282 = arith.andi %ne3A_281, %ne3A_276 : i1
      %add3A_283 = arith.addi %rem3A_274, %select_n3A_273 : i32
      %select_n3A_284 = arith.select %and3A_282, %add3A_283, %rem3A_274 : i32
      %ne3A_285 = arith.constant 15 : i32
      %ne3A_286 = arith.cmpi ne, %select_n3A_284, %ne3A_285 : i32
      %convert_element_type3A_287 = arith.extui %ne3A_286 : i1 to i32
      %cond3A_288 = arith.constant 0 : i32
      %cond3A_289 = arith.cmpi ne, %convert_element_type3A_287, %cond3A_288 : i32
      scf.if %cond3A_289 {
        %dma_start3A_364 = arith.constant 3 : i32
        %dma_start3A_365 = arith.constant 0 : i32
        %dma_start3A_366 = arith.constant 0 : i32
        %dma_start3A_367 = tpu.memref_slice %arg6[%dma_start3A_364, %dma_start3A_365, %dma_start3A_366] : memref<4x128x128xf32, #tpu.memory_space<vmem>> -> memref<1x128x128xf32, #tpu.memory_space<vmem>>
        %dma_start3A_368 = tpu.memref_squeeze %dma_start3A_367 : memref<1x128x128xf32, #tpu.memory_space<vmem>> -> memref<128x128xf32, #tpu.memory_space<vmem>>
        %dma_start3A_369 = arith.constant 0 : i32
        %dma_start3A_370 = tpu.memref_slice %arg5[%add3A_247, %dma_start3A_369] : memref<200x128xi32, #tpu.memory_space<vmem>> -> memref<1x128xi32, #tpu.memory_space<vmem>>
        %dma_start3A_371 = tpu.memref_squeeze %dma_start3A_370 : memref<1x128xi32, #tpu.memory_space<vmem>> -> memref<128xi32, #tpu.memory_space<vmem>>
        %dma_start3A_372 = arith.constant 0 : i32
        %dma_start3A_373 = arith.constant 0 : i32
        %dma_start3A_374 = tpu.memref_slice %arg7[%dma_start3A_372, %dma_start3A_373] : memref<1032x128xf32, #tpu.memory_space<vmem_shared>> -> memref<1032x128xf32, #tpu.memory_space<vmem_shared>>
        tpu.enqueue_indirect_dma source(%dma_start3A_374 : memref<1032x128xf32, #tpu.memory_space<vmem_shared>>) target(%dma_start3A_368 : memref<128x128xf32, #tpu.memory_space<vmem>>) offsets(%dma_start3A_371 : memref<128xi32, #tpu.memory_space<vmem>>) semaphore(%arg11 : memref<!tpu.dma_semaphore, #tpu.memory_space<semaphore_mem>>)
      } else {
      }
      %add3A_290 = arith.constant 2 : i32
      %add3A_291 = arith.addi %mul3A_110, %add3A_290 : i32
      %dma_wait3A_292 = arith.constant 2 : i32
      %dma_wait3A_293 = arith.constant 0 : i32
      %dma_wait3A_294 = arith.constant 0 : i32
      %dma_wait3A_295 = tpu.memref_slice %arg6[%dma_wait3A_292, %dma_wait3A_293, %dma_wait3A_294] : memref<4x128x128xf32, #tpu.memory_space<vmem>> -> memref<1x128x128xf32, #tpu.memory_space<vmem>>
      %dma_wait3A_296 = tpu.memref_squeeze %dma_wait3A_295 : memref<1x128x128xf32, #tpu.memory_space<vmem>> -> memref<128x128xf32, #tpu.memory_space<vmem>>
      %dma_wait3A_297 = arith.constant 0 : i32
      %dma_wait3A_298 = tpu.memref_slice %arg5[%add3A_291, %dma_wait3A_297] : memref<200x128xi32, #tpu.memory_space<vmem>> -> memref<1x128xi32, #tpu.memory_space<vmem>>
      %dma_wait3A_299 = tpu.memref_squeeze %dma_wait3A_298 : memref<1x128xi32, #tpu.memory_space<vmem>> -> memref<128xi32, #tpu.memory_space<vmem>>
      %dma_wait3A_300 = arith.constant 0 : i32
      %dma_wait3A_301 = arith.constant 0 : i32
      %dma_wait3A_302 = tpu.memref_slice %arg7[%dma_wait3A_300, %dma_wait3A_301] : memref<1032x128xf32, #tpu.memory_space<vmem_shared>> -> memref<1032x128xf32, #tpu.memory_space<vmem_shared>>
      tpu.wait_indirect_dma semaphore(%arg10 : memref<!tpu.dma_semaphore, #tpu.memory_space<semaphore_mem>>) src(%dma_wait3A_302 : memref<1032x128xf32, #tpu.memory_space<vmem_shared>>) dst(%dma_wait3A_296 : memref<128x128xf32, #tpu.memory_space<vmem>>)
      %add3A_303 = arith.constant 2 : i32
      %add3A_304 = arith.addi %mul3A_110, %add3A_303 : i32
      %dma_start3A_305 = arith.constant 2 : i32
      %dma_start3A_306 = arith.constant 0 : i32
      %dma_start3A_307 = arith.constant 0 : i32
      %dma_start3A_308 = tpu.memref_slice %arg6[%dma_start3A_305, %dma_start3A_306, %dma_start3A_307] : memref<4x128x128xf32, #tpu.memory_space<vmem>> -> memref<1x128x128xf32, #tpu.memory_space<vmem>>
      %dma_start3A_309 = tpu.memref_squeeze %dma_start3A_308 : memref<1x128x128xf32, #tpu.memory_space<vmem>> -> memref<128x128xf32, #tpu.memory_space<vmem>>
      %dma_start3A_310 = arith.constant 0 : i32
      %dma_start3A_311 = arith.constant 0 : i32
      %dma_start3A_312 = tpu.memref_slice %arg4[%add3A, %add3A_304, %dma_start3A_310, %dma_start3A_311] : memref<32x200x128x128xf32, #tpu.memory_space<hbm>> -> memref<1x1x128x128xf32, #tpu.memory_space<hbm>>
      %dma_start3A_313 = tpu.memref_squeeze %dma_start3A_312 : memref<1x1x128x128xf32, #tpu.memory_space<hbm>> -> memref<128x128xf32, #tpu.memory_space<hbm>>
      %dma_start3A_314 = arith.constant 0 : i32
      %dma_start3A_315 = arith.constant 0 : i32
      %dma_start3A_316 = tpu.memref_slice %arg4[%add3A, %add3A_304, %dma_start3A_314, %dma_start3A_315] : memref<32x200x128x128xf32, #tpu.memory_space<hbm>> -> memref<1x1x128x128xf32, #tpu.memory_space<hbm>>
      %dma_start3A_317 = tpu.memref_squeeze %dma_start3A_316 : memref<1x1x128x128xf32, #tpu.memory_space<hbm>> -> memref<128x128xf32, #tpu.memory_space<hbm>>
      %dma_start3A_318 = arith.constant 0 : i32
      %dma_start3A_319 = arith.constant 0 : i32
      %dma_start3A_320 = tpu.memref_slice %arg6[%dma_start3A_305, %dma_start3A_318, %dma_start3A_319] : memref<4x128x128xf32, #tpu.memory_space<vmem>> -> memref<1x128x128xf32, #tpu.memory_space<vmem>>
      %dma_start3A_321 = tpu.memref_squeeze %dma_start3A_320 : memref<1x128x128xf32, #tpu.memory_space<vmem>> -> memref<128x128xf32, #tpu.memory_space<vmem>>
      tpu.enqueue_dma source(%dma_start3A_321 : memref<128x128xf32, #tpu.memory_space<vmem>>) target(%dma_start3A_317 : memref<128x128xf32, #tpu.memory_space<hbm>>) target_semaphore(%arg14 : memref<!tpu.dma_semaphore, #tpu.memory_space<semaphore_mem>>)
      %lt3A_322 = arith.constant 49 : i32
      %lt3A_323 = arith.cmpi slt, %scan3A_108, %lt3A_322 : i32
      %convert_element_type3A_324 = arith.extui %lt3A_323 : i1 to i32
      %cond3A_325 = arith.constant 0 : i32
      %cond3A_326 = arith.cmpi ne, %convert_element_type3A_324, %cond3A_325 : i32
      scf.if %cond3A_326 {
        %dma_wait3A_364 = arith.constant 0 : i32
        %dma_wait3A_365 = arith.constant 0 : i32
        %dma_wait3A_366 = arith.constant 0 : i32
        %dma_wait3A_367 = tpu.memref_slice %arg6[%dma_wait3A_364, %dma_wait3A_365, %dma_wait3A_366] : memref<4x128x128xf32, #tpu.memory_space<vmem>> -> memref<1x128x128xf32, #tpu.memory_space<vmem>>
        %dma_wait3A_368 = tpu.memref_squeeze %dma_wait3A_367 : memref<1x128x128xf32, #tpu.memory_space<vmem>> -> memref<128x128xf32, #tpu.memory_space<vmem>>
        %dma_wait3A_369 = arith.constant 0 : i32
        %dma_wait3A_370 = arith.constant 0 : i32
        %dma_wait3A_371 = tpu.memref_slice %arg4[%add3A, %mul3A_110, %dma_wait3A_369, %dma_wait3A_370] : memref<32x200x128x128xf32, #tpu.memory_space<hbm>> -> memref<1x1x128x128xf32, #tpu.memory_space<hbm>>
        %dma_wait3A_372 = tpu.memref_squeeze %dma_wait3A_371 : memref<1x1x128x128xf32, #tpu.memory_space<hbm>> -> memref<128x128xf32, #tpu.memory_space<hbm>>
        %dma_wait3A_373 = arith.constant 0 : i32
        %dma_wait3A_374 = arith.constant 0 : i32
        %dma_wait3A_375 = tpu.memref_slice %arg4[%add3A, %mul3A_110, %dma_wait3A_373, %dma_wait3A_374] : memref<32x200x128x128xf32, #tpu.memory_space<hbm>> -> memref<1x1x128x128xf32, #tpu.memory_space<hbm>>
        %dma_wait3A_376 = tpu.memref_squeeze %dma_wait3A_375 : memref<1x1x128x128xf32, #tpu.memory_space<hbm>> -> memref<128x128xf32, #tpu.memory_space<hbm>>
        %dma_wait3A_377 = arith.constant 0 : i32
        %dma_wait3A_378 = arith.constant 0 : i32
        %dma_wait3A_379 = tpu.memref_slice %arg6[%dma_wait3A_364, %dma_wait3A_377, %dma_wait3A_378] : memref<4x128x128xf32, #tpu.memory_space<vmem>> -> memref<1x128x128xf32, #tpu.memory_space<vmem>>
        %dma_wait3A_380 = tpu.memref_squeeze %dma_wait3A_379 : memref<1x128x128xf32, #tpu.memory_space<vmem>> -> memref<128x128xf32, #tpu.memory_space<vmem>>
        tpu.wait_dma2 semaphore(%arg12 : memref<!tpu.dma_semaphore, #tpu.memory_space<semaphore_mem>>) src(%dma_wait3A_380 : memref<128x128xf32, #tpu.memory_space<vmem>>) dst(%dma_wait3A_376 : memref<128x128xf32, #tpu.memory_space<hbm>>)
        %add3A_381 = arith.constant 4 : i32
        %add3A_382 = arith.addi %mul3A_110, %add3A_381 : i32
        %jit3A_383 = arith.constant 16 : i32
        %eq3A_384 = arith.constant 0 : i32
        %eq3A_385 = arith.cmpi eq, %jit3A_383, %eq3A_384 : i32
        %jit3A_386 = arith.constant 1 : i32
        %select_n3A_387 = arith.select %eq3A_385, %jit3A_386, %jit3A_383 : i32
        %rem3A_388 = arith.remsi %add3A_382, %select_n3A_387 : i32
        %ne3A_389 = arith.constant 0 : i32
        %ne3A_390 = arith.cmpi ne, %rem3A_388, %ne3A_389 : i32
        %lt3A_391 = arith.constant 0 : i32
        %lt3A_392 = arith.cmpi slt, %rem3A_388, %lt3A_391 : i32
        %lt3A_393 = arith.constant 0 : i32
        %lt3A_394 = arith.cmpi slt, %select_n3A_387, %lt3A_393 : i32
        %ne3A_395 = arith.xori %lt3A_392, %lt3A_394 : i1
        %and3A_396 = arith.andi %ne3A_395, %ne3A_390 : i1
        %add3A_397 = arith.addi %rem3A_388, %select_n3A_387 : i32
        %select_n3A_398 = arith.select %and3A_396, %add3A_397, %rem3A_388 : i32
        %eq3A_399 = arith.constant 15 : i32
        %eq3A_400 = arith.cmpi eq, %select_n3A_398, %eq3A_399 : i32
        %convert_element_type3A_401 = arith.extui %eq3A_400 : i1 to i32
        %cond3A_402 = arith.constant 0 : i32
        %cond3A_403 = arith.cmpi ne, %convert_element_type3A_401, %cond3A_402 : i32
        scf.if %cond3A_403 {
          %dma_start3A_425 = arith.constant 0 : i32
          %dma_start3A_426 = arith.constant 0 : i32
          %dma_start3A_427 = arith.constant 0 : i32
          %dma_start3A_428 = tpu.memref_slice %arg6[%dma_start3A_425, %dma_start3A_426, %dma_start3A_427] : memref<4x128x128xf32, #tpu.memory_space<vmem>> -> memref<1x128x128xf32, #tpu.memory_space<vmem>>
          %dma_start3A_429 = tpu.memref_squeeze %dma_start3A_428 : memref<1x128x128xf32, #tpu.memory_space<vmem>> -> memref<128x128xf32, #tpu.memory_space<vmem>>
          %dma_start3A_430 = arith.constant 0 : i32
          %dma_start3A_431 = tpu.memref_slice %arg5[%add3A_382, %dma_start3A_430] : memref<200x128xi32, #tpu.memory_space<vmem>> -> memref<1x128xi32, #tpu.memory_space<vmem>>
          %dma_start3A_432 = tpu.memref_squeeze %dma_start3A_431 : memref<1x128xi32, #tpu.memory_space<vmem>> -> memref<128xi32, #tpu.memory_space<vmem>>
          %dma_start3A_433 = arith.constant 0 : i32
          %dma_start3A_434 = arith.constant 0 : i32
          %dma_start3A_435 = tpu.memref_slice %arg2[%dma_start3A_433, %dma_start3A_434] : memref<1032x128xf32, #tpu.memory_space<hbm>> -> memref<1032x128xf32, #tpu.memory_space<hbm>>
          tpu.enqueue_indirect_dma source(%dma_start3A_435 : memref<1032x128xf32, #tpu.memory_space<hbm>>) target(%dma_start3A_429 : memref<128x128xf32, #tpu.memory_space<vmem>>) offsets(%dma_start3A_432 : memref<128xi32, #tpu.memory_space<vmem>>) semaphore(%arg8 : memref<!tpu.dma_semaphore, #tpu.memory_space<semaphore_mem>>)
        } else {
        }
        %jit3A_404 = arith.constant 16 : i32
        %eq3A_405 = arith.constant 0 : i32
        %eq3A_406 = arith.cmpi eq, %jit3A_404, %eq3A_405 : i32
        %jit3A_407 = arith.constant 1 : i32
        %select_n3A_408 = arith.select %eq3A_406, %jit3A_407, %jit3A_404 : i32
        %rem3A_409 = arith.remsi %add3A_382, %select_n3A_408 : i32
        %ne3A_410 = arith.constant 0 : i32
        %ne3A_411 = arith.cmpi ne, %rem3A_409, %ne3A_410 : i32
        %lt3A_412 = arith.constant 0 : i32
        %lt3A_413 = arith.cmpi slt, %rem3A_409, %lt3A_412 : i32
        %lt3A_414 = arith.constant 0 : i32
        %lt3A_415 = arith.cmpi slt, %select_n3A_408, %lt3A_414 : i32
        %ne3A_416 = arith.xori %lt3A_413, %lt3A_415 : i1
        %and3A_417 = arith.andi %ne3A_416, %ne3A_411 : i1
        %add3A_418 = arith.addi %rem3A_409, %select_n3A_408 : i32
        %select_n3A_419 = arith.select %and3A_417, %add3A_418, %rem3A_409 : i32
        %ne3A_420 = arith.constant 15 : i32
        %ne3A_421 = arith.cmpi ne, %select_n3A_419, %ne3A_420 : i32
        %convert_element_type3A_422 = arith.extui %ne3A_421 : i1 to i32
        %cond3A_423 = arith.constant 0 : i32
        %cond3A_424 = arith.cmpi ne, %convert_element_type3A_422, %cond3A_423 : i32
        scf.if %cond3A_424 {
          %dma_start3A_425 = arith.constant 0 : i32
          %dma_start3A_426 = arith.constant 0 : i32
          %dma_start3A_427 = arith.constant 0 : i32
          %dma_start3A_428 = tpu.memref_slice %arg6[%dma_start3A_425, %dma_start3A_426, %dma_start3A_427] : memref<4x128x128xf32, #tpu.memory_space<vmem>> -> memref<1x128x128xf32, #tpu.memory_space<vmem>>
          %dma_start3A_429 = tpu.memref_squeeze %dma_start3A_428 : memref<1x128x128xf32, #tpu.memory_space<vmem>> -> memref<128x128xf32, #tpu.memory_space<vmem>>
          %dma_start3A_430 = arith.constant 0 : i32
          %dma_start3A_431 = tpu.memref_slice %arg5[%add3A_382, %dma_start3A_430] : memref<200x128xi32, #tpu.memory_space<vmem>> -> memref<1x128xi32, #tpu.memory_space<vmem>>
          %dma_start3A_432 = tpu.memref_squeeze %dma_start3A_431 : memref<1x128xi32, #tpu.memory_space<vmem>> -> memref<128xi32, #tpu.memory_space<vmem>>
          %dma_start3A_433 = arith.constant 0 : i32
          %dma_start3A_434 = arith.constant 0 : i32
          %dma_start3A_435 = tpu.memref_slice %arg7[%dma_start3A_433, %dma_start3A_434] : memref<1032x128xf32, #tpu.memory_space<vmem_shared>> -> memref<1032x128xf32, #tpu.memory_space<vmem_shared>>
          tpu.enqueue_indirect_dma source(%dma_start3A_435 : memref<1032x128xf32, #tpu.memory_space<vmem_shared>>) target(%dma_start3A_429 : memref<128x128xf32, #tpu.memory_space<vmem>>) offsets(%dma_start3A_432 : memref<128xi32, #tpu.memory_space<vmem>>) semaphore(%arg8 : memref<!tpu.dma_semaphore, #tpu.memory_space<semaphore_mem>>)
        } else {
        }
      } else {
      }
      %add3A_327 = arith.constant 3 : i32
      %add3A_328 = arith.addi %mul3A_110, %add3A_327 : i32
      %dma_wait3A_329 = arith.constant 3 : i32
      %dma_wait3A_330 = arith.constant 0 : i32
      %dma_wait3A_331 = arith.constant 0 : i32
      %dma_wait3A_332 = tpu.memref_slice %arg6[%dma_wait3A_329, %dma_wait3A_330, %dma_wait3A_331] : memref<4x128x128xf32, #tpu.memory_space<vmem>> -> memref<1x128x128xf32, #tpu.memory_space<vmem>>
      %dma_wait3A_333 = tpu.memref_squeeze %dma_wait3A_332 : memref<1x128x128xf32, #tpu.memory_space<vmem>> -> memref<128x128xf32, #tpu.memory_space<vmem>>
      %dma_wait3A_334 = arith.constant 0 : i32
      %dma_wait3A_335 = tpu.memref_slice %arg5[%add3A_328, %dma_wait3A_334] : memref<200x128xi32, #tpu.memory_space<vmem>> -> memref<1x128xi32, #tpu.memory_space<vmem>>
      %dma_wait3A_336 = tpu.memref_squeeze %dma_wait3A_335 : memref<1x128xi32, #tpu.memory_space<vmem>> -> memref<128xi32, #tpu.memory_space<vmem>>
      %dma_wait3A_337 = arith.constant 0 : i32
      %dma_wait3A_338 = arith.constant 0 : i32
      %dma_wait3A_339 = tpu.memref_slice %arg7[%dma_wait3A_337, %dma_wait3A_338] : memref<1032x128xf32, #tpu.memory_space<vmem_shared>> -> memref<1032x128xf32, #tpu.memory_space<vmem_shared>>
      tpu.wait_indirect_dma semaphore(%arg11 : memref<!tpu.dma_semaphore, #tpu.memory_space<semaphore_mem>>) src(%dma_wait3A_339 : memref<1032x128xf32, #tpu.memory_space<vmem_shared>>) dst(%dma_wait3A_333 : memref<128x128xf32, #tpu.memory_space<vmem>>)
      %add3A_340 = arith.constant 3 : i32
      %add3A_341 = arith.addi %mul3A_110, %add3A_340 : i32
      %dma_start3A_342 = arith.constant 3 : i32
      %dma_start3A_343 = arith.constant 0 : i32
      %dma_start3A_344 = arith.constant 0 : i32
      %dma_start3A_345 = tpu.memref_slice %arg6[%dma_start3A_342, %dma_start3A_343, %dma_start3A_344] : memref<4x128x128xf32, #tpu.memory_space<vmem>> -> memref<1x128x128xf32, #tpu.memory_space<vmem>>
      %dma_start3A_346 = tpu.memref_squeeze %dma_start3A_345 : memref<1x128x128xf32, #tpu.memory_space<vmem>> -> memref<128x128xf32, #tpu.memory_space<vmem>>
      %dma_start3A_347 = arith.constant 0 : i32
      %dma_start3A_348 = arith.constant 0 : i32
      %dma_start3A_349 = tpu.memref_slice %arg4[%add3A, %add3A_341, %dma_start3A_347, %dma_start3A_348] : memref<32x200x128x128xf32, #tpu.memory_space<hbm>> -> memref<1x1x128x128xf32, #tpu.memory_space<hbm>>
      %dma_start3A_350 = tpu.memref_squeeze %dma_start3A_349 : memref<1x1x128x128xf32, #tpu.memory_space<hbm>> -> memref<128x128xf32, #tpu.memory_space<hbm>>
      %dma_start3A_351 = arith.constant 0 : i32
      %dma_start3A_352 = arith.constant 0 : i32
      %dma_start3A_353 = tpu.memref_slice %arg4[%add3A, %add3A_341, %dma_start3A_351, %dma_start3A_352] : memref<32x200x128x128xf32, #tpu.memory_space<hbm>> -> memref<1x1x128x128xf32, #tpu.memory_space<hbm>>
      %dma_start3A_354 = tpu.memref_squeeze %dma_start3A_353 : memref<1x1x128x128xf32, #tpu.memory_space<hbm>> -> memref<128x128xf32, #tpu.memory_space<hbm>>
      %dma_start3A_355 = arith.constant 0 : i32
      %dma_start3A_356 = arith.constant 0 : i32
      %dma_start3A_357 = tpu.memref_slice %arg6[%dma_start3A_342, %dma_start3A_355, %dma_start3A_356] : memref<4x128x128xf32, #tpu.memory_space<vmem>> -> memref<1x128x128xf32, #tpu.memory_space<vmem>>
      %dma_start3A_358 = tpu.memref_squeeze %dma_start3A_357 : memref<1x128x128xf32, #tpu.memory_space<vmem>> -> memref<128x128xf32, #tpu.memory_space<vmem>>
      tpu.enqueue_dma source(%dma_start3A_358 : memref<128x128xf32, #tpu.memory_space<vmem>>) target(%dma_start3A_354 : memref<128x128xf32, #tpu.memory_space<hbm>>) target_semaphore(%arg15 : memref<!tpu.dma_semaphore, #tpu.memory_space<semaphore_mem>>)
      %lt3A_359 = arith.constant 49 : i32
      %lt3A_360 = arith.cmpi slt, %scan3A_108, %lt3A_359 : i32
      %convert_element_type3A_361 = arith.extui %lt3A_360 : i1 to i32
      %cond3A_362 = arith.constant 0 : i32
      %cond3A_363 = arith.cmpi ne, %convert_element_type3A_361, %cond3A_362 : i32
      scf.if %cond3A_363 {
        %add3A_364 = arith.constant 1 : i32
        %add3A_365 = arith.addi %mul3A_110, %add3A_364 : i32
        %dma_wait3A_366 = arith.constant 1 : i32
        %dma_wait3A_367 = arith.constant 0 : i32
        %dma_wait3A_368 = arith.constant 0 : i32
        %dma_wait3A_369 = tpu.memref_slice %arg6[%dma_wait3A_366, %dma_wait3A_367, %dma_wait3A_368] : memref<4x128x128xf32, #tpu.memory_space<vmem>> -> memref<1x128x128xf32, #tpu.memory_space<vmem>>
        %dma_wait3A_370 = tpu.memref_squeeze %dma_wait3A_369 : memref<1x128x128xf32, #tpu.memory_space<vmem>> -> memref<128x128xf32, #tpu.memory_space<vmem>>
        %dma_wait3A_371 = arith.constant 0 : i32
        %dma_wait3A_372 = arith.constant 0 : i32
        %dma_wait3A_373 = tpu.memref_slice %arg4[%add3A, %add3A_365, %dma_wait3A_371, %dma_wait3A_372] : memref<32x200x128x128xf32, #tpu.memory_space<hbm>> -> memref<1x1x128x128xf32, #tpu.memory_space<hbm>>
        %dma_wait3A_374 = tpu.memref_squeeze %dma_wait3A_373 : memref<1x1x128x128xf32, #tpu.memory_space<hbm>> -> memref<128x128xf32, #tpu.memory_space<hbm>>
        %dma_wait3A_375 = arith.constant 0 : i32
        %dma_wait3A_376 = arith.constant 0 : i32
        %dma_wait3A_377 = tpu.memref_slice %arg4[%add3A, %add3A_365, %dma_wait3A_375, %dma_wait3A_376] : memref<32x200x128x128xf32, #tpu.memory_space<hbm>> -> memref<1x1x128x128xf32, #tpu.memory_space<hbm>>
        %dma_wait3A_378 = tpu.memref_squeeze %dma_wait3A_377 : memref<1x1x128x128xf32, #tpu.memory_space<hbm>> -> memref<128x128xf32, #tpu.memory_space<hbm>>
        %dma_wait3A_379 = arith.constant 0 : i32
        %dma_wait3A_380 = arith.constant 0 : i32
        %dma_wait3A_381 = tpu.memref_slice %arg6[%dma_wait3A_366, %dma_wait3A_379, %dma_wait3A_380] : memref<4x128x128xf32, #tpu.memory_space<vmem>> -> memref<1x128x128xf32, #tpu.memory_space<vmem>>
        %dma_wait3A_382 = tpu.memref_squeeze %dma_wait3A_381 : memref<1x128x128xf32, #tpu.memory_space<vmem>> -> memref<128x128xf32, #tpu.memory_space<vmem>>
        tpu.wait_dma2 semaphore(%arg13 : memref<!tpu.dma_semaphore, #tpu.memory_space<semaphore_mem>>) src(%dma_wait3A_382 : memref<128x128xf32, #tpu.memory_space<vmem>>) dst(%dma_wait3A_378 : memref<128x128xf32, #tpu.memory_space<hbm>>)
        %add3A_383 = arith.constant 5 : i32
        %add3A_384 = arith.addi %mul3A_110, %add3A_383 : i32
        %jit3A_385 = arith.constant 16 : i32
        %eq3A_386 = arith.constant 0 : i32
        %eq3A_387 = arith.cmpi eq, %jit3A_385, %eq3A_386 : i32
        %jit3A_388 = arith.constant 1 : i32
        %select_n3A_389 = arith.select %eq3A_387, %jit3A_388, %jit3A_385 : i32
        %rem3A_390 = arith.remsi %add3A_384, %select_n3A_389 : i32
        %ne3A_391 = arith.constant 0 : i32
        %ne3A_392 = arith.cmpi ne, %rem3A_390, %ne3A_391 : i32
        %lt3A_393 = arith.constant 0 : i32
        %lt3A_394 = arith.cmpi slt, %rem3A_390, %lt3A_393 : i32
        %lt3A_395 = arith.constant 0 : i32
        %lt3A_396 = arith.cmpi slt, %select_n3A_389, %lt3A_395 : i32
        %ne3A_397 = arith.xori %lt3A_394, %lt3A_396 : i1
        %and3A_398 = arith.andi %ne3A_397, %ne3A_392 : i1
        %add3A_399 = arith.addi %rem3A_390, %select_n3A_389 : i32
        %select_n3A_400 = arith.select %and3A_398, %add3A_399, %rem3A_390 : i32
        %eq3A_401 = arith.constant 15 : i32
        %eq3A_402 = arith.cmpi eq, %select_n3A_400, %eq3A_401 : i32
        %convert_element_type3A_403 = arith.extui %eq3A_402 : i1 to i32
        %cond3A_404 = arith.constant 0 : i32
        %cond3A_405 = arith.cmpi ne, %convert_element_type3A_403, %cond3A_404 : i32
        scf.if %cond3A_405 {
          %dma_start3A_427 = arith.constant 1 : i32
          %dma_start3A_428 = arith.constant 0 : i32
          %dma_start3A_429 = arith.constant 0 : i32
          %dma_start3A_430 = tpu.memref_slice %arg6[%dma_start3A_427, %dma_start3A_428, %dma_start3A_429] : memref<4x128x128xf32, #tpu.memory_space<vmem>> -> memref<1x128x128xf32, #tpu.memory_space<vmem>>
          %dma_start3A_431 = tpu.memref_squeeze %dma_start3A_430 : memref<1x128x128xf32, #tpu.memory_space<vmem>> -> memref<128x128xf32, #tpu.memory_space<vmem>>
          %dma_start3A_432 = arith.constant 0 : i32
          %dma_start3A_433 = tpu.memref_slice %arg5[%add3A_384, %dma_start3A_432] : memref<200x128xi32, #tpu.memory_space<vmem>> -> memref<1x128xi32, #tpu.memory_space<vmem>>
          %dma_start3A_434 = tpu.memref_squeeze %dma_start3A_433 : memref<1x128xi32, #tpu.memory_space<vmem>> -> memref<128xi32, #tpu.memory_space<vmem>>
          %dma_start3A_435 = arith.constant 0 : i32
          %dma_start3A_436 = arith.constant 0 : i32
          %dma_start3A_437 = tpu.memref_slice %arg2[%dma_start3A_435, %dma_start3A_436] : memref<1032x128xf32, #tpu.memory_space<hbm>> -> memref<1032x128xf32, #tpu.memory_space<hbm>>
          tpu.enqueue_indirect_dma source(%dma_start3A_437 : memref<1032x128xf32, #tpu.memory_space<hbm>>) target(%dma_start3A_431 : memref<128x128xf32, #tpu.memory_space<vmem>>) offsets(%dma_start3A_434 : memref<128xi32, #tpu.memory_space<vmem>>) semaphore(%arg9 : memref<!tpu.dma_semaphore, #tpu.memory_space<semaphore_mem>>)
        } else {
        }
        %jit3A_406 = arith.constant 16 : i32
        %eq3A_407 = arith.constant 0 : i32
        %eq3A_408 = arith.cmpi eq, %jit3A_406, %eq3A_407 : i32
        %jit3A_409 = arith.constant 1 : i32
        %select_n3A_410 = arith.select %eq3A_408, %jit3A_409, %jit3A_406 : i32
        %rem3A_411 = arith.remsi %add3A_384, %select_n3A_410 : i32
        %ne3A_412 = arith.constant 0 : i32
        %ne3A_413 = arith.cmpi ne, %rem3A_411, %ne3A_412 : i32
        %lt3A_414 = arith.constant 0 : i32
        %lt3A_415 = arith.cmpi slt, %rem3A_411, %lt3A_414 : i32
        %lt3A_416 = arith.constant 0 : i32
        %lt3A_417 = arith.cmpi slt, %select_n3A_410, %lt3A_416 : i32
        %ne3A_418 = arith.xori %lt3A_415, %lt3A_417 : i1
        %and3A_419 = arith.andi %ne3A_418, %ne3A_413 : i1
        %add3A_420 = arith.addi %rem3A_411, %select_n3A_410 : i32
        %select_n3A_421 = arith.select %and3A_419, %add3A_420, %rem3A_411 : i32
        %ne3A_422 = arith.constant 15 : i32
        %ne3A_423 = arith.cmpi ne, %select_n3A_421, %ne3A_422 : i32
        %convert_element_type3A_424 = arith.extui %ne3A_423 : i1 to i32
        %cond3A_425 = arith.constant 0 : i32
        %cond3A_426 = arith.cmpi ne, %convert_element_type3A_424, %cond3A_425 : i32
        scf.if %cond3A_426 {
          %dma_start3A_427 = arith.constant 1 : i32
          %dma_start3A_428 = arith.constant 0 : i32
          %dma_start3A_429 = arith.constant 0 : i32
          %dma_start3A_430 = tpu.memref_slice %arg6[%dma_start3A_427, %dma_start3A_428, %dma_start3A_429] : memref<4x128x128xf32, #tpu.memory_space<vmem>> -> memref<1x128x128xf32, #tpu.memory_space<vmem>>
          %dma_start3A_431 = tpu.memref_squeeze %dma_start3A_430 : memref<1x128x128xf32, #tpu.memory_space<vmem>> -> memref<128x128xf32, #tpu.memory_space<vmem>>
          %dma_start3A_432 = arith.constant 0 : i32
          %dma_start3A_433 = tpu.memref_slice %arg5[%add3A_384, %dma_start3A_432] : memref<200x128xi32, #tpu.memory_space<vmem>> -> memref<1x128xi32, #tpu.memory_space<vmem>>
          %dma_start3A_434 = tpu.memref_squeeze %dma_start3A_433 : memref<1x128xi32, #tpu.memory_space<vmem>> -> memref<128xi32, #tpu.memory_space<vmem>>
          %dma_start3A_435 = arith.constant 0 : i32
          %dma_start3A_436 = arith.constant 0 : i32
          %dma_start3A_437 = tpu.memref_slice %arg7[%dma_start3A_435, %dma_start3A_436] : memref<1032x128xf32, #tpu.memory_space<vmem_shared>> -> memref<1032x128xf32, #tpu.memory_space<vmem_shared>>
          tpu.enqueue_indirect_dma source(%dma_start3A_437 : memref<1032x128xf32, #tpu.memory_space<vmem_shared>>) target(%dma_start3A_431 : memref<128x128xf32, #tpu.memory_space<vmem>>) offsets(%dma_start3A_434 : memref<128xi32, #tpu.memory_space<vmem>>) semaphore(%arg9 : memref<!tpu.dma_semaphore, #tpu.memory_space<semaphore_mem>>)
        } else {
        }
      } else {
      }
    }
    %scan3A_36 = arith.constant 50 : i32
    %dma_wait3A = arith.constant 0 : i32
    %dma_wait3A_37 = arith.constant 196 : i32
    %dma_wait3A_38 = arith.constant 0 : i32
    %dma_wait3A_39 = arith.constant 0 : i32
    %dma_wait3A_40 = tpu.memref_slice %arg6[%dma_wait3A, %dma_wait3A_38, %dma_wait3A_39] : memref<4x128x128xf32, #tpu.memory_space<vmem>> -> memref<1x128x128xf32, #tpu.memory_space<vmem>>
    %dma_wait3A_41 = tpu.memref_squeeze %dma_wait3A_40 : memref<1x128x128xf32, #tpu.memory_space<vmem>> -> memref<128x128xf32, #tpu.memory_space<vmem>>
    %dma_wait3A_42 = arith.constant 0 : i32
    %dma_wait3A_43 = arith.constant 0 : i32
    %dma_wait3A_44 = tpu.memref_slice %arg4[%add3A, %dma_wait3A_37, %dma_wait3A_42, %dma_wait3A_43] : memref<32x200x128x128xf32, #tpu.memory_space<hbm>> -> memref<1x1x128x128xf32, #tpu.memory_space<hbm>>
    %dma_wait3A_45 = tpu.memref_squeeze %dma_wait3A_44 : memref<1x1x128x128xf32, #tpu.memory_space<hbm>> -> memref<128x128xf32, #tpu.memory_space<hbm>>
    %dma_wait3A_46 = arith.constant 0 : i32
    %dma_wait3A_47 = arith.constant 0 : i32
    %dma_wait3A_48 = tpu.memref_slice %arg4[%add3A, %dma_wait3A_37, %dma_wait3A_46, %dma_wait3A_47] : memref<32x200x128x128xf32, #tpu.memory_space<hbm>> -> memref<1x1x128x128xf32, #tpu.memory_space<hbm>>
    %dma_wait3A_49 = tpu.memref_squeeze %dma_wait3A_48 : memref<1x1x128x128xf32, #tpu.memory_space<hbm>> -> memref<128x128xf32, #tpu.memory_space<hbm>>
    %dma_wait3A_50 = arith.constant 0 : i32
    %dma_wait3A_51 = arith.constant 0 : i32
    %dma_wait3A_52 = tpu.memref_slice %arg6[%dma_wait3A, %dma_wait3A_50, %dma_wait3A_51] : memref<4x128x128xf32, #tpu.memory_space<vmem>> -> memref<1x128x128xf32, #tpu.memory_space<vmem>>
    %dma_wait3A_53 = tpu.memref_squeeze %dma_wait3A_52 : memref<1x128x128xf32, #tpu.memory_space<vmem>> -> memref<128x128xf32, #tpu.memory_space<vmem>>
    tpu.wait_dma2 semaphore(%arg12 : memref<!tpu.dma_semaphore, #tpu.memory_space<semaphore_mem>>) src(%dma_wait3A_53 : memref<128x128xf32, #tpu.memory_space<vmem>>) dst(%dma_wait3A_49 : memref<128x128xf32, #tpu.memory_space<hbm>>)
    %dma_wait3A_54 = arith.constant 1 : i32
    %dma_wait3A_55 = arith.constant 197 : i32
    %dma_wait3A_56 = arith.constant 0 : i32
    %dma_wait3A_57 = arith.constant 0 : i32
    %dma_wait3A_58 = tpu.memref_slice %arg6[%dma_wait3A_54, %dma_wait3A_56, %dma_wait3A_57] : memref<4x128x128xf32, #tpu.memory_space<vmem>> -> memref<1x128x128xf32, #tpu.memory_space<vmem>>
    %dma_wait3A_59 = tpu.memref_squeeze %dma_wait3A_58 : memref<1x128x128xf32, #tpu.memory_space<vmem>> -> memref<128x128xf32, #tpu.memory_space<vmem>>
    %dma_wait3A_60 = arith.constant 0 : i32
    %dma_wait3A_61 = arith.constant 0 : i32
    %dma_wait3A_62 = tpu.memref_slice %arg4[%add3A, %dma_wait3A_55, %dma_wait3A_60, %dma_wait3A_61] : memref<32x200x128x128xf32, #tpu.memory_space<hbm>> -> memref<1x1x128x128xf32, #tpu.memory_space<hbm>>
    %dma_wait3A_63 = tpu.memref_squeeze %dma_wait3A_62 : memref<1x1x128x128xf32, #tpu.memory_space<hbm>> -> memref<128x128xf32, #tpu.memory_space<hbm>>
    %dma_wait3A_64 = arith.constant 0 : i32
    %dma_wait3A_65 = arith.constant 0 : i32
    %dma_wait3A_66 = tpu.memref_slice %arg4[%add3A, %dma_wait3A_55, %dma_wait3A_64, %dma_wait3A_65] : memref<32x200x128x128xf32, #tpu.memory_space<hbm>> -> memref<1x1x128x128xf32, #tpu.memory_space<hbm>>
    %dma_wait3A_67 = tpu.memref_squeeze %dma_wait3A_66 : memref<1x1x128x128xf32, #tpu.memory_space<hbm>> -> memref<128x128xf32, #tpu.memory_space<hbm>>
    %dma_wait3A_68 = arith.constant 0 : i32
    %dma_wait3A_69 = arith.constant 0 : i32
    %dma_wait3A_70 = tpu.memref_slice %arg6[%dma_wait3A_54, %dma_wait3A_68, %dma_wait3A_69] : memref<4x128x128xf32, #tpu.memory_space<vmem>> -> memref<1x128x128xf32, #tpu.memory_space<vmem>>
    %dma_wait3A_71 = tpu.memref_squeeze %dma_wait3A_70 : memref<1x128x128xf32, #tpu.memory_space<vmem>> -> memref<128x128xf32, #tpu.memory_space<vmem>>
    tpu.wait_dma2 semaphore(%arg13 : memref<!tpu.dma_semaphore, #tpu.memory_space<semaphore_mem>>) src(%dma_wait3A_71 : memref<128x128xf32, #tpu.memory_space<vmem>>) dst(%dma_wait3A_67 : memref<128x128xf32, #tpu.memory_space<hbm>>)
    %dma_wait3A_72 = arith.constant 2 : i32
    %dma_wait3A_73 = arith.constant 198 : i32
    %dma_wait3A_74 = arith.constant 0 : i32
    %dma_wait3A_75 = arith.constant 0 : i32
    %dma_wait3A_76 = tpu.memref_slice %arg6[%dma_wait3A_72, %dma_wait3A_74, %dma_wait3A_75] : memref<4x128x128xf32, #tpu.memory_space<vmem>> -> memref<1x128x128xf32, #tpu.memory_space<vmem>>
    %dma_wait3A_77 = tpu.memref_squeeze %dma_wait3A_76 : memref<1x128x128xf32, #tpu.memory_space<vmem>> -> memref<128x128xf32, #tpu.memory_space<vmem>>
    %dma_wait3A_78 = arith.constant 0 : i32
    %dma_wait3A_79 = arith.constant 0 : i32
    %dma_wait3A_80 = tpu.memref_slice %arg4[%add3A, %dma_wait3A_73, %dma_wait3A_78, %dma_wait3A_79] : memref<32x200x128x128xf32, #tpu.memory_space<hbm>> -> memref<1x1x128x128xf32, #tpu.memory_space<hbm>>
    %dma_wait3A_81 = tpu.memref_squeeze %dma_wait3A_80 : memref<1x1x128x128xf32, #tpu.memory_space<hbm>> -> memref<128x128xf32, #tpu.memory_space<hbm>>
    %dma_wait3A_82 = arith.constant 0 : i32
    %dma_wait3A_83 = arith.constant 0 : i32
    %dma_wait3A_84 = tpu.memref_slice %arg4[%add3A, %dma_wait3A_73, %dma_wait3A_82, %dma_wait3A_83] : memref<32x200x128x128xf32, #tpu.memory_space<hbm>> -> memref<1x1x128x128xf32, #tpu.memory_space<hbm>>
    %dma_wait3A_85 = tpu.memref_squeeze %dma_wait3A_84 : memref<1x1x128x128xf32, #tpu.memory_space<hbm>> -> memref<128x128xf32, #tpu.memory_space<hbm>>
    %dma_wait3A_86 = arith.constant 0 : i32
    %dma_wait3A_87 = arith.constant 0 : i32
    %dma_wait3A_88 = tpu.memref_slice %arg6[%dma_wait3A_72, %dma_wait3A_86, %dma_wait3A_87] : memref<4x128x128xf32, #tpu.memory_space<vmem>> -> memref<1x128x128xf32, #tpu.memory_space<vmem>>
    %dma_wait3A_89 = tpu.memref_squeeze %dma_wait3A_88 : memref<1x128x128xf32, #tpu.memory_space<vmem>> -> memref<128x128xf32, #tpu.memory_space<vmem>>
    tpu.wait_dma2 semaphore(%arg14 : memref<!tpu.dma_semaphore, #tpu.memory_space<semaphore_mem>>) src(%dma_wait3A_89 : memref<128x128xf32, #tpu.memory_space<vmem>>) dst(%dma_wait3A_85 : memref<128x128xf32, #tpu.memory_space<hbm>>)
    %dma_wait3A_90 = arith.constant 3 : i32
    %dma_wait3A_91 = arith.constant 199 : i32
    %dma_wait3A_92 = arith.constant 0 : i32
    %dma_wait3A_93 = arith.constant 0 : i32
    %dma_wait3A_94 = tpu.memref_slice %arg6[%dma_wait3A_90, %dma_wait3A_92, %dma_wait3A_93] : memref<4x128x128xf32, #tpu.memory_space<vmem>> -> memref<1x128x128xf32, #tpu.memory_space<vmem>>
    %dma_wait3A_95 = tpu.memref_squeeze %dma_wait3A_94 : memref<1x128x128xf32, #tpu.memory_space<vmem>> -> memref<128x128xf32, #tpu.memory_space<vmem>>
    %dma_wait3A_96 = arith.constant 0 : i32
    %dma_wait3A_97 = arith.constant 0 : i32
    %dma_wait3A_98 = tpu.memref_slice %arg4[%add3A, %dma_wait3A_91, %dma_wait3A_96, %dma_wait3A_97] : memref<32x200x128x128xf32, #tpu.memory_space<hbm>> -> memref<1x1x128x128xf32, #tpu.memory_space<hbm>>
    %dma_wait3A_99 = tpu.memref_squeeze %dma_wait3A_98 : memref<1x1x128x128xf32, #tpu.memory_space<hbm>> -> memref<128x128xf32, #tpu.memory_space<hbm>>
    %dma_wait3A_100 = arith.constant 0 : i32
    %dma_wait3A_101 = arith.constant 0 : i32
    %dma_wait3A_102 = tpu.memref_slice %arg4[%add3A, %dma_wait3A_91, %dma_wait3A_100, %dma_wait3A_101] : memref<32x200x128x128xf32, #tpu.memory_space<hbm>> -> memref<1x1x128x128xf32, #tpu.memory_space<hbm>>
    %dma_wait3A_103 = tpu.memref_squeeze %dma_wait3A_102 : memref<1x1x128x128xf32, #tpu.memory_space<hbm>> -> memref<128x128xf32, #tpu.memory_space<hbm>>
    %dma_wait3A_104 = arith.constant 0 : i32
    %dma_wait3A_105 = arith.constant 0 : i32
    %dma_wait3A_106 = tpu.memref_slice %arg6[%dma_wait3A_90, %dma_wait3A_104, %dma_wait3A_105] : memref<4x128x128xf32, #tpu.memory_space<vmem>> -> memref<1x128x128xf32, #tpu.memory_space<vmem>>
    %dma_wait3A_107 = tpu.memref_squeeze %dma_wait3A_106 : memref<1x128x128xf32, #tpu.memory_space<vmem>> -> memref<128x128xf32, #tpu.memory_space<vmem>>
    tpu.wait_dma2 semaphore(%arg15 : memref<!tpu.dma_semaphore, #tpu.memory_space<semaphore_mem>>) src(%dma_wait3A_107 : memref<128x128xf32, #tpu.memory_space<vmem>>) dst(%dma_wait3A_103 : memref<128x128xf32, #tpu.memory_space<hbm>>)
    return
  }
}

module attributes {stable_mosaic.version = 14 : i64} {
  func.func @_project_body(%arg0: memref<1032x128xf32, #tpu.memory_space<vmem>>, %arg1: memref<128x128xf32, #tpu.memory_space<vmem>>, %arg2: memref<1x128xf32, #tpu.memory_space<vmem>>, %arg3: memref<1x1xf32, #tpu.memory_space<vmem>>, %arg4: memref<1032x128xf32, #tpu.memory_space<vmem>>) attributes {dimension_semantics = [], scalar_prefetch = 0 : i64, scratch_operands = 0 : i64, tpu.core_type = #tpu.core_type<tc>} {
    %get3A = arith.constant 0 : index
    %get3A_0 = arith.constant 0 : index
    %get3A_1 = vector.load %arg0[%get3A, %get3A_0] : memref<1032x128xf32, #tpu.memory_space<vmem>>, vector<1032x128xf32>
    %get3A_2 = arith.constant 0 : index
    %get3A_3 = arith.constant 0 : index
    %get3A_4 = vector.load %arg1[%get3A_2, %get3A_3] : memref<128x128xf32, #tpu.memory_space<vmem>>, vector<128x128xf32>
    %dot_general3A = arith.constant dense<0.000000e+00> : vector<1032x128xf32>
    %dot_general3A_5 = tpu.matmul %get3A_1, %get3A_4, %dot_general3A {dimension_numbers = #tpu.dot_dimension_numbers<[1], [1], [0], [0], [0, 0, 1, 0], [], []>, transpose_lhs_hint = false} : vector<1032x128xf32>, vector<128x128xf32>, vector<1032x128xf32> -> vector<1032x128xf32>
    %get3A_6 = arith.constant 0 : index
    %get3A_7 = arith.constant 0 : index
    %get3A_8 = vector.load %arg3[%get3A_6, %get3A_7] : memref<1x1xf32, #tpu.memory_space<vmem>>, vector<1x1xf32>
    %get3A_9 = arith.constant 0 : index
    %get3A_10 = arith.constant 0 : index
    %get3A_11 = vector.load %arg2[%get3A_9, %get3A_10] : memref<1x128xf32, #tpu.memory_space<vmem>>, vector<1x128xf32>
    %add3A = vector.broadcast %get3A_11 : vector<1x128xf32> to vector<1032x128xf32>
    %add3A_12 = arith.addf %dot_general3A_5, %add3A : vector<1032x128xf32>
    %mul3A = vector.broadcast %get3A_8 : vector<1x1xf32> to vector<1032x128xf32>
    %mul3A_13 = arith.mulf %mul3A, %add3A_12 : vector<1032x128xf32>
    %swap3A = arith.constant 0 : index
    %swap3A_14 = arith.constant 0 : index
    %swap3A_15 = vector.load %arg4[%swap3A, %swap3A_14] : memref<1032x128xf32, #tpu.memory_space<vmem>>, vector<1032x128xf32>
    tpu.vector_store %arg4[%swap3A, %swap3A_14], %mul3A_13 {strides = array<i32>} : memref<1032x128xf32, #tpu.memory_space<vmem>>, vector<1032x128xf32>,
    return
  }
}

</mosaic_0001>

<sc_bundles>
// kernel: kernel.4.cloned.1.call-start
scs
__scs_entry_jumppad:
0x0: {  	(pc) =	sbr.rel $0x88, $3  }
0x1: {  	(tag) =	ssettag $0x0;
	lr =	simm.s32 $0x1  }
0x2: {  	[smem:$0x3F9C] =	sst lr;
	_ =	strace $0xD0000000  }
0x3: {  	_ = 	snop  }
0x4: {  	_ = 	snop  }
0x5: {  	_ = 	snop  }
0x6: {  	_ = 	snop  }
0x7: {  	_ = 	snop  }
__scs_overlays_trampoline_lowered:
0x8: {  	[smem:$0x3FAB] =	sst s0  }
0x9: {  	[smem:$0x3FAC] =	sst s1  }
0xa: {  	[smem:$0x3FAD] =	sst s2  }
0xb: {  	[smem:$0x3FAE] =	sst s3  }
0xc: {  	[smem:$0x3FAF] =	sst s4  }
0xd: {  	[smem:$0x3FB0] =	sst s5  }
0xe: {  	[smem:$0x3FB1] =	sst s6  }
0xf: {  	[smem:$0x3FB2] =	sst s7  }
0x10: {  	[smem:$0x3FB3] =	sst s8  }
0x11: {  	[smem:$0x3FB4] =	sst s9;
	s0 =	simm.s32 @!p0 $0x0  }
0x12: {  	s1 =	sld [smem:$0x3F9A];
	s0 =	simm.s32 @p0 $0x1  }
0x13: {  	[smem:$0x3FB5] =	sst s0;
	s0 =	simm.s32 @!p1 $0x0  }
0x14: {  	s2 =	sld [smem:$0x3F99];
	s0 =	simm.s32 @p1 $0x1  }
0x15: {  	[smem:$0x3FB6] =	sst s0;
	s0 =	simm.s32 @!p2 $0x0  }
0x16: {  	s3 =	sld [smem:$0x3FDB];
	s0 =	simm.s32 @p2 $0x1  }
0x17: {  	s4 =	simm.s32 $0x1BF5;
	[smem:$0x3FB8] =	sst s0  }
0x18: {  	s0 =	sld [smem:$0x3F9B];
	_ =	swait.ge [sflag:s4], $0x0  }
0x19: {  	s7 =	sld [smem:$0x3F9C]  }
0x1a: {  	s8 =	sadd.s32 $0xFFFFE003, lr  }
0x1b: {  	s9 =	sadd.s32 $0xFFFFFEF7, lr;
	s5 =	simm.s32 $0xFFFFFFFF;
	p2 =	slt.u32 s8, $0xFFFFF086  }
0x1c: {  	p1 =	slt.u32 s9, $0xF7A;
	s5 =	simm.s32 @!p2 $0x0  }
0x1d: {  	s5 =	simm.s32 @p1 $0x1;
	p0 =	seq.s32 s7, s2  }
0x1e: {  	s7 =	smul.u32 @!p0 $0xF7A, s2;
	p2 =	seq.s32 @!p0 s5, $0x0  }
0x1f: {  	s9 =	smul.u32 $0xF7A, s1;
	s8 =	simm.s32 @!p0 $0x1BF5;
	p2 =	por !p2, p0  }
0x20: {  	[sflag:s8] =	ssyncset.s32 @!p0 $0xFFFFF086;
	s6 =	sadd.s32 @!p0 s3, s7;
	s7 =	simm.s32 @!p0 $0x108  }
0x21: {  	s3 =	sadd.s32 s3, s9;
	s6 =	sadd.s32 @!p0 $0x88, s6;
	s7 =	simm.s32 @p2 $0x1082  }
0x22: {  	[simem:s7], [sflag:s8] =	dma.local @!p0 [hbm:s6], $0xF7A  }
0x23: {  	s9 =	sor.u32 $0xD0000000, s2;
	s6 =	simm.s32 $0x108;
	_ =	swait.ge @!p0 [sflag:s8], $0x0  }
0x24: {  	s3 =	sadd.s32 $0x88, s3;
	s6 =	simm.s32 @!p1 $0x1082;
	[sflag:s4] =	ssyncset.s32 $0xFFFFF086  }
0x25: {  	[simem:s6], [sflag:s4] =	dma.local [hbm:s3], $0xF7A  }
0x26: {  	[smem:$0x3F9C] =	sst s1;
	(tag) =	ssettag s2;
	_ =	strace s9  }
0x27: {  	s1 =	sld [smem:$0x3FAC]  }
0x28: {  	s2 =	sld [smem:$0x3FAD]  }
0x29: {  	s4 =	sld [smem:$0x3FAF]  }
0x2a: {  	p0 =	seq.s32 s5, $0x0;
	s5 =	sld [smem:$0x3FB0]  }
0x2b: {  	s6 =	sld [smem:$0x3FB1]  }
0x2c: {  	s7 =	sld [smem:$0x3FB2]  }
0x2d: {  	s3 =	simm.s32 $0x108;
	s8 =	sld [smem:$0x3FB3]  }
0x2e: {  	s3 =	simm.s32 @!p0 $0x1082;
	s9 =	sld [smem:$0x3FB4]  }
0x2f: {  	lr =	sadd.s32 s0, s3;
	s0 =	sld [smem:$0x3FAB]  }
0x30: {  	s3 =	sld [smem:$0x3FAE]  }
0x31: {  	[smem:$0x3FB7] =	sst s10  }
0x32: {  	s10 =	sld [smem:$0x3FB5];
	_ =	sdelay $0x3  }
0x33: {  	p0 =	seq.s32 s10, $0x1;
	s10 =	sld [smem:$0x3FB7];
	_ =	sdelay $0x3  }
0x34: {  	[smem:$0x3FB7] =	sst s10  }
0x35: {  	s10 =	sld [smem:$0x3FB6];
	_ =	sdelay $0x3  }
0x36: {  	p1 =	seq.s32 s10, $0x1;
	s10 =	sld [smem:$0x3FB7];
	_ =	sdelay $0x3  }
0x37: {  	[smem:$0x3FB7] =	sst s10  }
0x38: {  	s10 =	sld [smem:$0x3FB8]  }
0x39: {  	_ = 	snop;
	(pc) =	sbr.ind lr, $3  }
0x3a: {  	_ = 	snop  }
0x3b: {  	_ = 	snop  }
0x3c: {  	p2 =	seq.s32 s10, $0x1;
	s10 =	sld [smem:$0x3FB7]  }
0x3d: {  	_ =	shalt  }
0x3e: {  	_ =	shalt  }
0x3f: {  	_ =	shalt  }
0x40: {  	_ =	shalt  }
0x41: {  	_ =	shalt  }
0x42: {  	_ =	shalt  }
0x43: {  	_ =	shalt  }
0x44: {  	_ =	shalt  }
0x45: {  	_ =	shalt  }
0x46: {  	_ =	shalt  }
0x47: {  	_ =	shalt  }
0x48: {  	_ =	shalt  }
0x49: {  	_ =	shalt  }
0x4a: {  	_ =	shalt  }
0x4b: {  	_ =	shalt  }
0x4c: {  	_ =	shalt  }
0x4d: {  	_ =	shalt  }
0x4e: {  	_ =	shalt  }
0x4f: {  	_ =	shalt  }
0x50: {  	_ =	shalt  }
0x51: {  	_ =	shalt  }
0x52: {  	_ =	shalt  }
0x53: {  	_ =	shalt  }
0x54: {  	_ =	shalt  }
0x55: {  	_ =	shalt  }
0x56: {  	_ =	shalt  }
0x57: {  	_ =	shalt  }
0x58: {  	_ =	shalt  }
0x59: {  	_ =	shalt  }
0x5a: {  	_ =	shalt  }
0x5b: {  	_ =	shalt  }
0x5c: {  	_ =	shalt  }
0x5d: {  	_ =	shalt  }
0x5e: {  	_ =	shalt  }
0x5f: {  	_ =	shalt  }
0x60: {  	_ =	shalt  }
0x61: {  	_ =	shalt  }
0x62: {  	_ =	shalt  }
0x63: {  	_ =	shalt  }
0x64: {  	_ =	shalt  }
0x65: {  	_ =	shalt  }
0x66: {  	_ =	shalt  }
0x67: {  	_ =	shalt  }
0x68: {  	_ =	shalt  }
0x69: {  	_ =	shalt  }
0x6a: {  	_ =	shalt  }
0x6b: {  	_ =	shalt  }
0x6c: {  	_ =	shalt  }
0x6d: {  	_ =	shalt  }
0x6e: {  	_ =	shalt  }
0x6f: {  	_ =	shalt  }
0x70: {  	_ =	shalt  }
0x71: {  	_ =	shalt  }
0x72: {  	_ =	shalt  }
0x73: {  	_ =	shalt  }
0x74: {  	_ =	shalt  }
0x75: {  	_ =	shalt  }
0x76: {  	_ =	shalt  }
0x77: {  	_ =	shalt  }
0x78: {  	_ =	shalt  }
0x79: {  	_ =	shalt  }
0x7a: {  	_ =	shalt  }
0x7b: {  	_ =	shalt  }
0x7c: {  	_ =	shalt  }
0x7d: {  	_ =	shalt  }
0x7e: {  	_ =	shalt  }
0x7f: {  	_ =	shalt  }
0x80: {  	_ =	shalt  }
0x81: {  	_ =	shalt  }
0x82: {  	_ =	shalt  }
0x83: {  	_ =	shalt  }
0x84: {  	_ =	shalt  }
0x85: {  	_ =	shalt  }
0x86: {  	_ =	shalt  }
0x87: {  	_ =	shalt  }
.Lfunc_end0:
.L_simem_size_0:
called_computation_lowered:
.L_overlay_start_0:
0x88: {  	s2 =	sld [smem:$0x3FD9]  }
0x89: {  	s3 =	sld [smem:$0x3FFE];
	_ =	sdelay $0x1  }
0x8a: {  	s1 =	srdreg.scid  }
0x8b: {  	s0 =	sand.u32 $0x1, s1  }
0x8c: {  	s17 =	sshll.u32 s0, $0xA;
	s2 =	sadd.s32 s3, s2  }
0x8d: {  	s2 =	sadd.s32 s2, s17  }
0x8e: {  	[smem:$0x3FC3] =	sst s2  }
0x8f: {  	_ = 	snop  }
0x90: {  	s2 =	sld [smem:$0x3FD0];
	(tm) =	ssettm $0x1  }
0x91: {  	s18 =	sld [smem:$0x3FFB];
	_ =	sdelay $0x3  }
0x92: {  	_ =	strace s18  }
0x93: {  	s3 =	sld [smem:$0x3FFC];
	_ =	sdelay $0x3  }
0x94: {  	_ =	strace s3  }
0x95: {  	s3 =	sld [smem:$0x3FFD];
	_ =	sdelay $0x3  }
0x96: {  	_ =	strace s3  }
0x97: {  	_ =	strace $0x8FFFFFFF  }
0x98: {  	s19 =	sld [smem:$0x3FDB];
	_ =	sdelay $0x1  }
0x99: {  	s4 =	simm.s32 $_scs_section_size  }
0x9a: {  	s5 =	simm.s32 $_size__tile_overlayer_lowered;
	s6 =	simm.s32 $_tile_overlayer_lowered  }
0x9b: {  	s22 =	simm.s32 $0x1BFF;
	s21 =	sshll.u32 s6, $0x1;
	s3 =	sadd.s32 s4, s19  }
0x9c: {  	s7 =	simm.s32 $0x0;
	s20 =	sshll.u32 s5, $0x1;
	s5 =	sadd.s32 s21, s3  }
0x9d: {  	[timem:s7], [sflag:s22] =	dma.local [hbm:s5], s20  }
0x9e: {  	_ =	swait.ge [sflag:s22], s20  }
0x9f: {  	s4 =	ssub.s32 $0x0, s20;
	[sflag:s22] =	ssyncset.done $0x0  }
0xa0: {  	[sflag:s22] =	ssyncadd.s32 s4;
	_ =	sdelay $0x1  }
0xa1: {  	s23 =	simm.s32 $0x1B8B  }
0xa2: {  	_ =	swait.ge [sflag:s23], $0x1  }
0xa3: {  	[sflag:s23] =	ssyncset.done $0x0  }
0xa4: {  	s25 =	simm.s32 $0x1B8E;
	s24 =	sld [smem:$0x3FFE];
	[sflag:s23] =	ssyncadd.s32 $0xFFFFFFFF  }
0xa5: {  	s26 =	simm.s32 $execute0_lowered;
	[smem:$0x3FD2] =	sst s25  }
0xa6: {  	s5 =	sshll.u32 s26, $0x1;
	_ =	strace $0x80000046;
	[dreg:$0x1] =	wrdreg $0xFFFFFFFF  }
0xa7: {  	s28 =	simm.s32 $_size_execute0_lowered;
	s3 =	sadd.s32 s3, s5;
	[dreg:$0x0] =	wrdreg $0x0  }
0xa8: {  	s5 =	sshll.u32 s28, $0x1;
	[dreg:$0x2] =	wrdreg s3  }
0xa9: {  	[dreg:$0x3] =	wrdreg s5  }
0xaa: {  	[dreg:$0x4] =	wrdreg $0xC0  }
0xab: {  	_ =	task [dreg:s7], $0x5FFFF  }
0xac: {  	[dreg:$0x1] =	wrdreg $0xFFFFFFFF  }
0xad: {  	[dreg:$0x0] =	wrdreg $0x60  }
0xae: {  	[dreg:$0x2] =	wrdreg s24  }
0xaf: {  	[dreg:$0x3] =	wrdreg s2  }
0xb0: {  	[dreg:$0x4] =	wrdreg $0x164000  }
0xb1: {  	[dreg:$0x5] =	wrdreg $0x9  }
0xb2: {  	_ =	task.clear_ibuf [dreg:s7], $0x6FFFF;
	_ =	strace $0x90000046  }
0xb3: {  	s29 =	simm.s32 $0x9;
	_ =	strace $0x80000048  }
0xb4: {  	_ =	swait.ge [sflag:s29], $0x1  }
0xb5: {  	[sflag:s29] =	ssyncadd.s32 $0xFFFFFFFF  }
0xb6: {  	_ =	strace $0x90000048  }
0xb7: {  	_ =	sfence  }
0xb8: {  	s30 =	sld [smem:$0x0];
	_ =	sdelay $0x2  }
0xb9: {  	s31 =	sshll.u32 s1, $0xD;
	s1 =	sshrl.u32 s1, $0x2  }
0xba: {  	s3 =	sand.u32 $0x4000, s31;
	s1 =	sadd.s32 s1, s30  }
0xbb: {  	s0 =	sor.u32 s3, s0;
	s1 =	sshll.u32 s1, $0x11  }
0xbc: {  	s0 =	sor.u32 s1, s0  }
0xbd: {  	s0 =	sadd.s32 $0x8F2B, s0  }
0xbe: {  	[sflag:s0] =	ssyncadd.remote.s32 $0x1  }
0xbf: {  	_ =	sfence.sel $0xFFFF  }
0xc0: {  	[dreg:$0x0] =	wrdreg $0xFFFFFFFF;
	(pc) =	sbr.abs _section_cstart, $3  }
0xc1: {  	[dreg:$0x1] =	wrdreg $0xFFFFFFFF  }
0xc2: {  	_ =	task.clear_ibuf [dreg:s7], $0x2FFFF;
	_ =	strace $0x9FFFFFFF  }
0xc3: {  	(tm) =	ssettm $0x7FFFFFFF  }
tec
execute0_lowered:
.L_overlay_start_1:
0x0: {  	(tag) =	ssettag $0x1  }
0x1: {  	s0 =	rddreg [dreg:$0x0]  }
0x2: {  	s1 =	rddreg [dreg:$0x1]  }
0x3: {  	s2 =	rddreg [dreg:$0x2];
	s3 =	simm.s32 $0x0  }
0x4: {  	s4 =	srdreg.scid;
	s5 =	stileid.u32;
	s12 =	simm.s32 $0x9  }
0x5: {  	s13 =	simm.s32 $0x80;
	s14 =	simm.s32 $0x6400;
	s15 =	simm.s32 $0xA400  }
0x6: {  	s16 =	simm.s32 $0x1;
	s17 =	simm.s32 $0xE400;
	s18 =	simm.s32 $0x2  }
0x7: {  	s19 =	simm.s32 $0x3;
	s20 =	simm.s32 $0x12400;
	s21 =	simm.s32 $0x4  }
0x8: {  	s22 =	simm.s32 $0x5;
	s23 =	simm.s32 $0x6;
	s24 =	simm.s32 $0x7  }
0x9: {  	s4 =	sand.u32 $0x1, s4;
	s6 =	sshll.u32 s5, $0x1;
	s7 =	smul.u32 $0x640000, s5  }
0xa: {  	[smem:$0x7FF] =	sst s3;
	s6 =	sor.u32 s4, s6;
	s8 =	smul.u32 $0x320000, s4  }
0xb: {  	_ =	strace $0x80000047;
	s10 =	ssub.s32 $0x2, s4;
	s9 =	smul.u32 $0xC80, s6  }
0xc: {  	s4 =	sadd.s32 $0x19C00, s0;
	s11 =	sshrl.u32 s10, $0x1;
	s7 =	sadd.s32 s8, s7  }
0xd: {  	s26 =	ssub.s32 s10, s11;
	s0 =	sadd.s32 s9, s0;
	s28 =	sor.u32 $0x8000, s7  }
0xe: {  	s8 =	smax.u32 s26, $0x1;
	s30 =	sor.u32 $0x4000, s7;
	s7 =	sshrl.u32 s7, $0x3  }
0xf: {  	s0 =	sadd.s32 $0xC00, s0;
	s29 =	sshrl.u32 s28, $0x3;
	[dreg:$0x5] =	wrdreg s8  }
.Ltmp0:
0x10: {  	[dreg:$0x4] =	wrdreg s0;
	s0 =	sadd.s32 s29, s1;
	(pc) =	sbr.rel .LBB2_1-.Ltmp0, $4  }
0x11: {  	s31 =	sadd.s32 s7, s1;
	[dreg:$0x6] =	wrdreg s0;
	s0 =	sshrl.u32 s30, $0x3  }
0x12: {  	p0 =	sne.s32 s5, $0x0;
	[dreg:$0x7] =	wrdreg s31;
	s0 =	sadd.s32 s0, s1  }
0x13: {  	s25 =	simm.s32 $0x8;
	[dreg:$0x8] =	wrdreg s0;
	s0 =	sshrl.u32 @!p0 s2, $0x3  }
0x14: {  	s6 =	smul.u32 $0x320000, s6;
	s26 =	simm.s32 $0x0;
	[dreg:$0x9] =	wrdreg s0  }
.LBB2_11:
0x15: {  	_ =	swait.ge [sflag:s22], $0x4000  }
0x16: {  	[sflag:s22] =	ssyncset.done $0x0  }
0x17: {  	[sflag:s22] =	ssyncadd.s32 $0xFFFFC000  }
0x18: {  	_ =	swait.ge [sflag:s23], $0x4000  }
0x19: {  	[sflag:s23] =	ssyncset.done $0x0  }
0x1a: {  	[sflag:s23] =	ssyncadd.s32 $0xFFFFC000  }
0x1b: {  	_ =	swait.ge [sflag:s24], $0x4000  }
0x1c: {  	[sflag:s24] =	ssyncset.done $0x0  }
0x1d: {  	[sflag:s24] =	ssyncadd.s32 $0xFFFFC000  }
0x1e: {  	_ =	swait.ge [sflag:s25], $0x4000  }
0x1f: {  	s26 =	sadd.s32 $0x1, s26;
	s0 =	rddreg [dreg:$0x5]  }
0x20: {  	p1 =	sne.s32 s26, s0  }
.Ltmp1:
0x21: {  	_ = 	snop;
	(pc) =	sbr.rel @!p1 .LBB2_12-.Ltmp1, $3  }
0x22: {  	_ =	sdelay $0x1  }
0x23: {  	[sflag:s25] =	ssyncset.done $0x0  }
0x24: {  	[sflag:s25] =	ssyncadd.s32 $0xFFFFC000  }
.LBB2_1:
0x25: {  	s0 =	simm.s32 @!p0 $0x1C09;
	s5 =	rddreg [dreg:$0x9]  }
0x26: {  	[spmem:s5], [sflag:s0] =	dma.local @!p0 [hbm:s4], $0x4080  }
0x27: {  	s0 =	simm.s32 @!p0 $0x9  }
0x28: {  	_ =	swait.ge @!p0 [sflag:s0], $0x4080  }
0x29: {  	[sflag:s0] =	ssyncset.done @!p0 $0x0  }
0x2a: {  	s28 =	rddreg [dreg:$0x4];
	[sflag:s0] =	ssyncadd.s32 @!p0 $0xFFFFBF80  }
0x2b: {  	[tilespmem:s3], [sflag:$0x9] =	stream.linear.gather [hbm4b:s28+s3], $0x6400, $0x38;
	[tilespmem:$0x18440] =	vst v63  }
0x2c: {  	s29 =	sand.u32 $0xE00, s3;
	_ =	swait.ge [sflag:s12], $0x6400  }
0x2d: {  	s30 =	sand.u32 $0x70, s3;
	s0 =	sshrl.u32 s29, $0x2;
	[sflag:s12] =	ssyncset.done $0x0  }
0x2e: {  	s0 =	sor.u32 s30, s0;
	[sflag:s12] =	ssyncadd.s32 $0xFFFF9C00  }
0x2f: {  	v0 =	vld [tilespmem:s0+$0x0];
	_ =	sdelay $0x4  }
0x30: {  	s31 =	simm.s32 $0x40;
	vm0 =	vgt.s32 v0, $0x0  }
0x31: {  	s7 =	simm.s32 $0x10;
	s8 =	sand.u32 $0xE00, s31;
	s5 =	simm.s32 $0x80;
	v0 =	vnsel vm0, $0x0, v0  }
.LBB2_2:
0x32: {  	p1 =	sne.s32 s5, $0xBC0;
	s11 =	sand.u32 $0x70, s7;
	s8 =	sshrl.u32 s8, $0x2;
	v0 =	vmin.u32 v0, $0x401  }
0x33: {  	[tilespmem:s0+$0x0] =	vst v0;
	s0 =	sor.u32 s11, s8  }
0x34: {  	v0 =	vld [tilespmem:s0+$0x0];
	_ =	sdelay $0x1  }
.Ltmp2:
0x35: {  	(pc) =	sbr.rel @p1 .LBB2_2-.Ltmp2, $3  }
0x36: {  	_ =	sdelay $0x1  }
0x37: {  	vm0 =	vgt.s32 v0, $0x0  }
0x38: {  	s7 =	sadd.s32 $0x10, s7;
	s8 =	sand.u32 $0xE00, s5;
	s5 =	sadd.s32 $0x40, s5;
	v0 =	vnsel vm0, $0x0, v0  }
0x39: {  	s5 =	sand.u32 $0x70, s7;
	s29 =	sshrl.u32 s8, $0x2;
	v0 =	vmin.u32 v0, $0x401  }
0x3a: {  	s5 =	sor.u32 s5, s29;
	[tilespmem:s0+$0x0] =	vst v0  }
0x3b: {  	v0 =	vld [tilespmem:s5+$0x0];
	_ =	sdelay $0x4  }
0x3c: {  	vm0 =	vgt.s32 v0, $0x0  }
0x3d: {  	v0 =	vnsel vm0, $0x0, v0  }
0x3e: {  	v0 =	vmin.u32 v0, $0x401  }
0x3f: {  	[tilespmem:s5+$0x0] =	vst v0  }
0x40: {  	s28 =	simm.s32 $0x0;
	[bflag:$0x0] =	sbarrier.arrive $0xFFFF  }
0x41: {  	[tilespmem:s14], [sflag:$0x1] =	stream.indirect.gather [spmem:s2], $0x80, s28, s13, $0xb8;
	[tilespmem:$0x18440] =	vst v63  }
0x42: {  	s30 =	rddreg [dreg:$0x8]  }
0x43: {  	s31 =	rddreg [dreg:$0x7]  }
0x44: {  	s11 =	simm.s32 $0x3;
	s5 =	simm.s32 $0x0;
	s8 =	rddreg [dreg:$0x6]  }
0x45: {  	[tilespmem:s15], [sflag:$0x2] =	stream.indirect.gather [spmem:s2], $0x80, s13, s13, $0xb8;
	[tilespmem:$0x18440] =	vst v63  }
.LBB2_4:
0x46: {  	p1 =	seq.s32 s28, $0x18800  }
0x47: {  	s7 =	sshra.s32 @!p1 s28, $0x2  }
0x48: {  	v0 =	vld @!p1 [tilespmem:s7+$0x300]  }
0x49: {  	v1 =	vld @!p1 [tilespmem:s7+$0x310]  }
0x4a: {  	v2 =	vld @!p1 [tilespmem:s7+$0x320]  }
0x4b: {  	v3 =	vld @!p1 [tilespmem:s7+$0x330]  }
0x4c: {  	v4 =	vld @!p1 [tilespmem:s7+$0x340]  }
0x4d: {  	v5 =	vld @!p1 [tilespmem:s7+$0x350];
	vm0 =	vgt.s32 @!p1 v0, $0x0  }
0x4e: {  	v6 =	vld @!p1 [tilespmem:s7+$0x360];
	v0 =	vnsel @!p1 vm0, $0x0, v0;
	vm0 =	vgt.s32 @!p1 v1, $0x0  }
0x4f: {  	v7 =	vld @!p1 [tilespmem:s7+$0x370];
	v0 =	vmin.u32 @!p1 v0, $0x401;
	v1 =	vnsel @!p1 vm0, $0x0, v1;
	vm0 =	vgt.s32 @!p1 v2, $0x0  }
0x50: {  	[tilespmem:s7+$0x300] =	vst @!p1 v0;
	v0 =	vmin.u32 @!p1 v1, $0x401;
	v1 =	vnsel @!p1 vm0, $0x0, v2;
	vm0 =	vgt.s32 @!p1 v3, $0x0;
	v2 =	vld @!p1 [tilespmem:s7+$0x380]  }
0x51: {  	[tilespmem:s7+$0x310] =	vst @!p1 v0;
	v0 =	vmin.u32 @!p1 v1, $0x401;
	v1 =	vnsel @!p1 vm0, $0x0, v3;
	vm0 =	vgt.s32 @!p1 v4, $0x0;
	v3 =	vld @!p1 [tilespmem:s7+$0x390]  }
0x52: {  	[tilespmem:s7+$0x320] =	vst @!p1 v0;
	v0 =	vmin.u32 @!p1 v1, $0x401;
	v1 =	vnsel @!p1 vm0, $0x0, v4;
	vm0 =	vgt.s32 @!p1 v5, $0x0;
	v4 =	vld @!p1 [tilespmem:s7+$0x3A0]  }
0x53: {  	[tilespmem:s7+$0x330] =	vst @!p1 v0;
	v0 =	vmin.u32 @!p1 v1, $0x401;
	v1 =	vnsel @!p1 vm0, $0x0, v5;
	vm0 =	vgt.s32 @!p1 v6, $0x0;
	v5 =	vld @!p1 [tilespmem:s7+$0x3B0]  }
0x54: {  	[tilespmem:s7+$0x340] =	vst @!p1 v0;
	v0 =	vmin.u32 @!p1 v1, $0x401;
	v1 =	vnsel @!p1 vm0, $0x0, v6;
	vm0 =	vgt.s32 @!p1 v7, $0x0;
	v6 =	vld @!p1 [tilespmem:s7+$0x3C0]  }
0x55: {  	[tilespmem:s7+$0x350] =	vst @!p1 v0;
	v0 =	vmin.u32 @!p1 v1, $0x401;
	v1 =	vnsel @!p1 vm0, $0x0, v7;
	vm0 =	vgt.s32 @!p1 v2, $0x0;
	v7 =	vld @!p1 [tilespmem:s7+$0x3D0]  }
0x56: {  	[tilespmem:s7+$0x360] =	vst @!p1 v0;
	v0 =	vmin.u32 @!p1 v1, $0x401;
	v1 =	vnsel @!p1 vm0, $0x0, v2;
	vm0 =	vgt.s32 @!p1 v3, $0x0;
	v2 =	vld @!p1 [tilespmem:s7+$0x3E0]  }
0x57: {  	[tilespmem:s7+$0x370] =	vst @!p1 v0;
	v0 =	vmin.u32 @!p1 v1, $0x401;
	v1 =	vnsel @!p1 vm0, $0x0, v3;
	vm0 =	vgt.s32 @!p1 v4, $0x0;
	v3 =	vld @!p1 [tilespmem:s7+$0x3F0]  }
0x58: {  	[tilespmem:s7+$0x380] =	vst @!p1 v0;
	v0 =	vmin.u32 @!p1 v1, $0x401;
	v1 =	vnsel @!p1 vm0, $0x0, v4;
	vm0 =	vgt.s32 @!p1 v5, $0x0  }
0x59: {  	p2 =	sgt.u32 @!p1 s5, $0x2F;
	[tilespmem:s7+$0x390] =	vst @!p1 v0;
	v0 =	vmin.u32 @!p1 v1, $0x401;
	v1 =	vnsel @!p1 vm0, $0x0, v5;
	vm0 =	vgt.s32 @!p1 v6, $0x0  }
0x5a: {  	p2 =	por p1, p2;
	[tilespmem:s7+$0x3A0] =	vst @!p1 v0;
	v0 =	vmin.u32 @!p1 v1, $0x401;
	v1 =	vnsel @!p1 vm0, $0x0, v6;
	vm0 =	vgt.s32 @!p1 v7, $0x0  }
.Ltmp3:
0x5b: {  	[tilespmem:s7+$0x3B0] =	vst @!p1 v0;
	v0 =	vmin.u32 @!p1 v1, $0x401;
	v1 =	vnsel @!p1 vm0, $0x0, v7;
	vm0 =	vgt.s32 @!p1 v2, $0x0;
	(pc) =	sbr.rel @p2 .LBB2_6-.Ltmp3, $4  }
0x5c: {  	[tilespmem:s7+$0x3C0] =	vst @!p1 v0;
	v0 =	vmin.u32 @!p1 v1, $0x401;
	v1 =	vnsel @!p1 vm0, $0x0, v2;
	vm0 =	vgt.s32 @!p1 v3, $0x0  }
0x5d: {  	[tilespmem:s7+$0x3D0] =	vst @!p1 v0;
	v0 =	vnsel @!p1 vm0, $0x0, v3;
	v1 =	vmin.u32 @!p1 v1, $0x401  }
0x5e: {  	[tilespmem:s7+$0x3E0] =	vst @!p1 v1;
	v0 =	vmin.u32 @!p1 v0, $0x401  }
0x5f: {  	s0 =	sshra.s32 s28, $0x2;
	[tilespmem:s7+$0x3F0] =	vst @!p1 v0  }
0x60: {  	v0 =	vld [tilespmem:s0+$0x400]  }
0x61: {  	v1 =	vld [tilespmem:s0+$0x410]  }
0x62: {  	v2 =	vld [tilespmem:s0+$0x420]  }
0x63: {  	v3 =	vld [tilespmem:s0+$0x430]  }
0x64: {  	v4 =	vld [tilespmem:s0+$0x440]  }
0x65: {  	v5 =	vld [tilespmem:s0+$0x450];
	vm0 =	vgt.s32 v0, $0x0  }
0x66: {  	v6 =	vld [tilespmem:s0+$0x460];
	vm13 =	vgt.s32 v1, $0x0;
	v0 =	vnsel vm0, $0x0, v0  }
0x67: {  	v7 =	vld [tilespmem:s0+$0x470];
	vm14 =	vgt.s32 v2, $0x0;
	v1 =	vnsel vm13, $0x0, v1;
	v0 =	vmin.u32 v0, $0x401  }
0x68: {  	v31 =	vld [tilespmem:s0+$0x480];
	vm15 =	vgt.s32 v3, $0x0;
	v30 =	vnsel vm14, $0x0, v2;
	v29 =	vmin.u32 v1, $0x401;
	[tilespmem:s0+$0x400] =	vst v0  }
0x69: {  	v34 =	vld [tilespmem:s0+$0x490];
	vm4 =	vgt.s32 v4, $0x0;
	v33 =	vnsel vm15, $0x0, v3;
	v32 =	vmin.u32 v30, $0x401;
	[tilespmem:s0+$0x410] =	vst v29  }
0x6a: {  	v37 =	vld [tilespmem:s0+$0x4A0];
	vm5 =	vgt.s32 v5, $0x0;
	v36 =	vnsel vm4, $0x0, v4;
	v35 =	vmin.u32 v33, $0x401;
	[tilespmem:s0+$0x420] =	vst v32  }
0x6b: {  	v40 =	vld [tilespmem:s0+$0x4B0];
	vm6 =	vgt.s32 v6, $0x0;
	v39 =	vnsel vm5, $0x0, v5;
	v38 =	vmin.u32 v36, $0x401;
	[tilespmem:s0+$0x430] =	vst v35  }
0x6c: {  	v43 =	vld [tilespmem:s0+$0x4C0];
	vm7 =	vgt.s32 v7, $0x0;
	v42 =	vnsel vm6, $0x0, v6;
	v41 =	vmin.u32 v39, $0x401;
	[tilespmem:s0+$0x440] =	vst v38  }
0x6d: {  	v46 =	vld [tilespmem:s0+$0x4D0];
	vm8 =	vgt.s32 v31, $0x0;
	v45 =	vnsel vm7, $0x0, v7;
	v44 =	vmin.u32 v42, $0x401;
	[tilespmem:s0+$0x450] =	vst v41  }
0x6e: {  	v49 =	vld [tilespmem:s0+$0x4E0];
	vm9 =	vgt.s32 v34, $0x0;
	v48 =	vnsel vm8, $0x0, v31;
	v47 =	vmin.u32 v45, $0x401;
	[tilespmem:s0+$0x460] =	vst v44  }
0x6f: {  	v52 =	vld [tilespmem:s0+$0x4F0];
	vm10 =	vgt.s32 v37, $0x0;
	v51 =	vnsel vm9, $0x0, v34;
	v50 =	vmin.u32 v48, $0x401;
	[tilespmem:s0+$0x470] =	vst v47  }
0x70: {  	vm11 =	vgt.s32 v40, $0x0;
	v54 =	vnsel vm10, $0x0, v37;
	v53 =	vmin.u32 v51, $0x401;
	[tilespmem:s0+$0x480] =	vst v50  }
0x71: {  	vm12 =	vgt.s32 v43, $0x0;
	v56 =	vnsel vm11, $0x0, v40;
	v55 =	vmin.u32 v54, $0x401;
	[tilespmem:s0+$0x490] =	vst v53  }
0x72: {  	v58 =	vnsel vm12, $0x0, v43;
	vm13 =	vgt.s32 v46, $0x0;
	v57 =	vmin.u32 v56, $0x401;
	[tilespmem:s0+$0x4A0] =	vst v55  }
0x73: {  	vm14 =	vgt.s32 v49, $0x0;
	v59 =	vmin.u32 v58, $0x401;
	v60 =	vnsel vm13, $0x0, v46;
	[tilespmem:s0+$0x4B0] =	vst v57  }
0x74: {  	vm15 =	vgt.s32 v52, $0x0;
	v62 =	vnsel vm14, $0x0, v49;
	[tilespmem:s0+$0x4C0] =	vst v59;
	v61 =	vmin.u32 v60, $0x401  }
0x75: {  	v63 =	vnsel vm15, $0x0, v52;
	v1 =	vmin.u32 v62, $0x401;
	[tilespmem:s0+$0x4D0] =	vst v61  }
0x76: {  	v0 =	vmin.u32 v63, $0x401;
	[tilespmem:s0+$0x4E0] =	vst v1  }
0x77: {  	[tilespmem:s0+$0x4F0] =	vst v0  }
.LBB2_6:
0x78: {  	_ =	swait.ge [sflag:s16], $0x4000  }
0x79: {  	p2 =	seq.s32 s28, $0x0;
	[sflag:s16] =	ssyncset.done $0x0  }
0x7a: {  	s29 =	simm.s32 @!p2 $0x7;
	[sflag:s16] =	ssyncadd.s32 $0xFFFFC000  }
0x7b: {  	[hbm4b:s31+s3] =	stream.linear.scatter [tilespmem:s14], [sflag:$0x5], $0x4000, $0x38;
	[tilespmem:$0x18440] =	vst v63  }
0x7c: {  	_ =	swait.ge @!p2 [sflag:s29], $0x4000  }
0x7d: {  	[sflag:s29] =	ssyncset.done @!p2 $0x0  }
0x7e: {  	s10 =	sadd.s32 $0x100, s0;
	s9 =	sand.u32 @!p2 $0xF, s11;
	[sflag:s29] =	ssyncadd.s32 @!p2 $0xFFFFC000  }
0x7f: {  	[tilespmem:s17], [sflag:$0x3] =	stream.indirect.gather [spmem:s2], $0x80, s10, s13, $0xb8;
	[tilespmem:$0x18440] =	vst v63  }
0x80: {  	p3 =	sne.s32 @!p2 s9, $0xF;
	_ =	swait.ge [sflag:s18], $0x4000  }
0x81: {  	p3 =	por p2, p3;
	[sflag:s18] =	ssyncset.done $0x0  }
.Ltmp4:
0x82: {  	s29 =	simm.s32 @!p2 $0x8;
	[sflag:s18] =	ssyncadd.s32 $0xFFFFC000;
	(pc) =	sbr.rel @p3 .LBB2_8-.Ltmp4, $4  }
0x83: {  	[hbm4b:s30+s3] =	stream.linear.scatter [tilespmem:s15], [sflag:$0x6], $0x4000, $0x38;
	[tilespmem:$0x18440] =	vst v63  }
0x84: {  	_ =	swait.ge @!p2 [sflag:s29], $0x4000  }
0x85: {  	[sflag:s29] =	ssyncset.done @!p2 $0x0  }
0x86: {  	[sflag:s29] =	ssyncadd.s32 @!p2 $0xFFFFC000  }
.Ltmp5:
0x87: {  	(pc) =	sbr.rel .LBB2_9-.Ltmp5, $3  }
0x88: {  	_ =	sdelay $0x1  }
0x89: {  	s9 =	sadd.s32 $0x180, s0;
	s29 =	smov.u32 s11  }
0x8a: {  	[tilespmem:s20], [sflag:$0x4] =	stream.indirect.gather [hbm4b:s4+s13], $0x80, s9, s13, $0xb8;
	[tilespmem:$0x18440] =	vst v63  }
.LBB2_8:
0x8b: {  	s29 =	smov.u32 s11  }
0x8c: {  	s29 =	simm.s32 @p2 $0x3  }
0x8d: {  	s9 =	sshll.u32 s29, $0x7  }
0x8e: {  	s9 =	sand.u32 $0x3FFFFF80, s9  }
0x8f: {  	[tilespmem:s20], [sflag:$0x4] =	stream.indirect.gather [spmem:s2], $0x80, s9, s13, $0xb8;
	[tilespmem:$0x18440] =	vst v63  }
.LBB2_9:
0x90: {  	_ =	swait.ge [sflag:s19], $0x4000  }
0x91: {  	[sflag:s19] =	ssyncset.done $0x0  }
0x92: {  	s9 =	simm.s32 @!p1 $0x5;
	[sflag:s19] =	ssyncadd.s32 $0xFFFFC000  }
0x93: {  	[hbm4b:s8+s3] =	stream.linear.scatter [tilespmem:s17], [sflag:$0x7], $0x4000, $0x38;
	[tilespmem:$0x18440] =	vst v63  }
0x94: {  	_ =	swait.ge @!p1 [sflag:s9], $0x4000  }
0x95: {  	s7 =	sadd.s32 @!p1 $0x200, s7;
	[sflag:s9] =	ssyncset.done @!p1 $0x0  }
0x96: {  	s10 =	simm.s32 @!p1 $0x6400;
	[sflag:s9] =	ssyncadd.s32 @!p1 $0xFFFFC000;
	s9 =	simm.s32 @!p1 $0x80  }
0x97: {  	[tilespmem:s10], [sflag:$0x1] =	stream.indirect.gather @!p1 [spmem:s2], $0x80, s7, s9, $0xb8;
	[tilespmem:$0x18440] =	vst v63  }
.Ltmp6:
0x98: {  	s29 =	sshll.u32 s29, $0xE;
	(pc) =	sbr.rel @p1 .LBB2_11-.Ltmp6, $4  }
0x99: {  	s7 =	sadd.s32 s6, s29;
	_ =	swait.ge [sflag:s21], $0x4000  }
0x9a: {  	s7 =	sshrl.u32 s7, $0x3;
	[sflag:s21] =	ssyncset.done $0x0  }
0x9b: {  	s7 =	sadd.s32 s1, s7;
	[sflag:s21] =	ssyncadd.s32 $0xFFFFC000  }
0x9c: {  	[hbm4b:s7+s3] =	stream.linear.scatter [tilespmem:s20], [sflag:$0x8], $0x4000, $0x38;
	[tilespmem:$0x18440] =	vst v63  }
.Ltmp7:
0x9d: {  	_ =	swait.ge [sflag:s23], $0x4000;
	(pc) =	sbr.rel .LBB2_4-.Ltmp7, $4  }
0x9e: {  	s0 =	sadd.s32 $0x280, s0;
	s5 =	sadd.s32 $0x1, s5;
	s28 =	sadd.s32 $0x800, s28  }
0x9f: {  	s8 =	sadd.s32 $0x2000, s8;
	s11 =	sadd.s32 $0x4, s11;
	[sflag:s23] =	ssyncset.done $0x0  }
0xa0: {  	s31 =	sadd.s32 $0x2000, s31;
	s30 =	sadd.s32 $0x2000, s30;
	[sflag:s23] =	ssyncadd.s32 $0xFFFFC000  }
0xa1: {  	[tilespmem:s15], [sflag:$0x2] =	stream.indirect.gather [spmem:s2], $0x80, s0, s13, $0xb8;
	[tilespmem:$0x18440] =	vst v63  }
.LBB2_12:
0xa2: {  	_ =	sfence.sel $0x180000  }
0xa3: {  	[bflag:$0x0] =	sbarrier.arrive $0xFFFF  }
0xa4: {  	_ =	strace $0x90000047  }
0xa5: {  	[bflag:$0x2] =	sbarrier.arrive $0xFFFF  }
0xa6: {  	s0 =	rddreg [dreg:$0x3]  }
0xa7: {  	s0 =	sadd.s32 @!p0 $0x100000, s0  }
0xa8: {  	[sflag:s0] =	ssyncadd.tile.s32 @!p0 $0x1;
	_ =	shalt  }
.Lfunc_end2:
_tile_overlayer_lowered:
.L_overlay_start_2:
0xa9: {  	(tag) =	ssettag $0x2  }
0xaa: {  	s0 =	rddreg [dreg:$0x0];
	s2 =	stileid.u32  }
0xab: {  	s1 =	rddreg [dreg:$0x1];
	p0 =	sne.s32 s2, $0x0  }
0xac: {  	s3 =	rddreg [dreg:$0x2];
	[bflag:$0x3] =	sbarrier.arrive $0xFFFF;
	s2 =	simm.s32 @!p0 $0x1C09  }
0xad: {  	[timem:s3], [sflag:s2] =	dma.local @!p0 [hbm:s0], s1  }
0xae: {  	s0 =	simm.s32 @!p0 $0x9  }
0xaf: {  	_ =	swait.ge @!p0 [sflag:s0], s1  }
0xb0: {  	s1 =	ssub.s32 @!p0 $0x0, s1;
	[sflag:s0] =	ssyncset.done @!p0 $0x0  }
0xb1: {  	[sflag:s0] =	ssyncadd.s32 @!p0 s1  }
0xb2: {  	[bflag:$0x3] =	sbarrier.arrive $0xFFFF  }
0xb3: {  	_ =	shalt  }

</sc_bundles>
